<compile_context>
chip_gen: v7x
topology: tpu7x:2x2x1
jax: 0.10.2.dev20260603
libtpu: 0.0.44.dev20260713+nightly
codegen_flags: <defaults>
</compile_context>

<pallas_src>
import functools

import jax
import jax.numpy as jnp
from jax import lax
from jax.experimental import pallas as pl
from jax.experimental.pallas import tpu as pltpu
from jax.experimental.pallas import tpu_sc as plsc

NUM_SUBCORES = 16
LANES = 16
NSEG = 16
NHEAD = 9
LN2 = 0.6931471805599453


def _dense_body(r, x_ref, wt_ref, bt_ref, out_ref):
    x = x_ref[...]
    yt = lax.dot_general(wt_ref[...], x, (((1,), (1,)), ((), ())),
                         preferred_element_type=jnp.float32)
    yt = yt + bt_ref[...]
    ya = yt[0:8, :]
    amax = jnp.max(ya, axis=0, keepdims=True)
    lse = jnp.log(jnp.sum(jnp.exp(ya - amax), axis=0, keepdims=True)) + amax
    z = jnp.concatenate([ya - lse, yt[8:9, :]], axis=0)
    out_ref[...] = z.reshape(NHEAD * r)


def _dense_call(x, w_t, b_t, block_rows):
    n, e = x.shape
    return pl.pallas_call(
        functools.partial(_dense_body, block_rows),
        grid=(n // block_rows,),
        in_specs=[
            pl.BlockSpec((block_rows, e), lambda i: (i, 0)),
            pl.BlockSpec((NHEAD, e), lambda i: (0, 0)),
            pl.BlockSpec((NHEAD, 1), lambda i: (0, 0)),
        ],
        out_specs=pl.BlockSpec((NHEAD * block_rows,), lambda i: (i,)),
        out_shape=jax.ShapeDtypeStruct((NHEAD * n,), jnp.float32),
    )(x, w_t, b_t)


def _sc_body(chunk, dense_block, main_hbm, idx_hbm, clse_hbm,
             dv, iv, lm_ref, s_ref, shared, part, clse_ref):
    minf = jnp.float32(-jnp.inf)
    wid = lax.axis_index("s")
    per = dense_block // chunk
    sbase = (wid // per) * NHEAD * dense_block + (wid % per) * chunk
    pltpu.sync_copy(main_hbm.at[pl.ds(sbase + 8 * dense_block, chunk)], dv)
    pltpu.sync_copy(idx_hbm.at[pl.ds(wid * chunk, chunk)], iv)

    nvec = chunk // LANES
    lane = lax.iota(jnp.int32, LANES)

    s_ref[...] = jnp.zeros((LANES,), jnp.float32)

    first = iv[pl.ds(0, LANES)][0]
    last = iv[pl.ds(chunk - LANES, LANES)][LANES - 1]

    @pl.when(first == last)
    def _chunk_uniform():
        def body(i, acc):
            return jnp.maximum(acc, dv[pl.ds(i * LANES, LANES)])

        acc = lax.fori_loop(0, nvec, body, jnp.full((LANES,), minf, jnp.float32),
                            unroll=8)
        m = jnp.max(acc)
        lm_ref[...] = jnp.where(lane == first, m, minf)

        def body2u(i, acc):
            return acc + jnp.exp(dv[pl.ds(i * LANES, LANES)] - m)

        acc2 = lax.fori_loop(0, nvec, body2u, jnp.zeros((LANES,), jnp.float32),
                             unroll=8)
        s_ref[...] = jnp.where(lane == first, jnp.sum(acc2), 0.0)

    @pl.when(first != last)
    def _chunk_mixed():
        def body(i, lm):
            v = dv[pl.ds(i * LANES, LANES)]
            sg = iv[pl.ds(i * LANES, LANES)]
            s0 = sg[0]
            s15 = sg[LANES - 1]

            def vec_uniform(lm):
                return jnp.where(lane == s0, jnp.maximum(lm, jnp.max(v)), lm)

            def vec_mixed(lm):
                def seg_loop(b, lm):
                    mb = jnp.max(jnp.where(sg == b, v, minf))
                    return jnp.where(lane == b, jnp.maximum(lm, mb), lm)

                return lax.fori_loop(0, NSEG, seg_loop, lm)

            return lax.cond(s0 == s15, vec_uniform, vec_mixed, lm)

        lm_ref[...] = lax.fori_loop(
            0, nvec, body, jnp.full((LANES,), minf, jnp.float32))

    @pl.when(first != last)
    def _chunk_mixed2():
        def body2(i, c):
            v = dv[pl.ds(i * LANES, LANES)]
            sg = iv[pl.ds(i * LANES, LANES)]
            shift = plsc.load_gather(lm_ref, [sg])
            plsc.addupdate_scatter(s_ref, [sg], jnp.exp(v - shift))
            return c

        lax.fori_loop(0, nvec, body2, 0, unroll=8)

    pltpu.sync_copy(lm_ref, shared.at[pl.ds(wid * 2 * LANES, LANES)])
    pltpu.sync_copy(s_ref, shared.at[pl.ds(wid * 2 * LANES + LANES, LANES)])
    plsc.subcore_barrier()

    @pl.when(wid == 0)
    def _reduce_and_emit():
        pltpu.sync_copy(shared, part)

        def mbody(w, m):
            return jnp.maximum(m, part[pl.ds(w * 2 * LANES, LANES)])

        m = lax.fori_loop(0, NUM_SUBCORES, mbody,
                          jnp.full((LANES,), minf, jnp.float32))

        def sbody(w, s):
            return s + part[pl.ds(w * 2 * LANES + LANES, LANES)] * jnp.exp(
                part[pl.ds(w * 2 * LANES, LANES)] - m)

        s = lax.fori_loop(0, NUM_SUBCORES, sbody,
                          jnp.zeros((LANES,), jnp.float32))

        bits = plsc.bitcast(s, jnp.int32)
        y = ((bits >> 23) - 127).astype(jnp.float32) * jnp.float32(LN2)
        for _ in range(4):
            y = y + s * jnp.exp(-y) - 1.0
        clse_ref[...] = m + y
        pltpu.sync_copy(clse_ref, clse_hbm)


def _sc_call(main_flat, idx, dense_block):
    n = idx.shape[0]
    chunk = n // NUM_SUBCORES
    mesh = plsc.VectorSubcoreMesh(
        core_axis_name="c", subcore_axis_name="s",
        num_cores=1, num_subcores=NUM_SUBCORES,
    )
    return pl.kernel(
        functools.partial(_sc_body, chunk, dense_block),
        out_type=jax.ShapeDtypeStruct((LANES,), jnp.float32),
        mesh=mesh,
        compiler_params=pltpu.CompilerParams(needs_layout_passes=False),
        scratch_types=[
            pltpu.VMEM((chunk,), jnp.float32),
            pltpu.VMEM((chunk,), jnp.int32),
            pltpu.VMEM((LANES,), jnp.float32),
            pltpu.VMEM((LANES,), jnp.float32),
            pltpu.VMEM_SHARED((NUM_SUBCORES * 2 * LANES,), jnp.float32),
            pltpu.VMEM((NUM_SUBCORES * 2 * LANES,), jnp.float32),
            pltpu.VMEM((LANES,), jnp.float32),
        ],
    )(main_flat, idx)


def _comb_body(r, main_ref, idx_ref, clse_ref, out_ref):
    t = r // 128
    z = main_ref[...].reshape(NHEAD * t, 128)
    la3 = z[0:8 * t, :].reshape(8, t, 128)
    d2 = z[8 * t:NHEAD * t, :]
    sg = idx_ref[...].reshape(t, 128)
    clse = clse_ref[...]
    corr = jnp.zeros((t, 128), jnp.float32)
    for b in range(NSEG):
        corr = jnp.where(sg == b, clse[b], corr)
    c2 = d2 - corr
    out_ref[...] = jnp.transpose(la3, (1, 0, 2)) + c2[:, None, :]


def _comb_call(main_flat, idx, clse, block_rows):
    n = idx.shape[0]
    t = n // 128
    bt = block_rows // 128
    return pl.pallas_call(
        functools.partial(_comb_body, block_rows),
        grid=(n // block_rows,),
        in_specs=[
            pl.BlockSpec((NHEAD * block_rows,), lambda i: (i,)),
            pl.BlockSpec((block_rows,), lambda i: (i,)),
            pl.BlockSpec((LANES,), lambda i: (0,)),
        ],
        out_specs=pl.BlockSpec((bt, 8, 128), lambda i: (i, 0, 0)),
        out_shape=jax.ShapeDtypeStruct((t, 8, 128), jnp.float32),
    )(main_flat, idx, clse)


def kernel(embed_states, batch_index, W_dev, b_dev, W_act, b_act):
    n, e = embed_states.shape
    a = W_act.shape[1]
    idx = batch_index.astype(jnp.int32)
    w_t = jnp.concatenate([W_act.T, W_dev.T], axis=0)
    b_t = jnp.concatenate([b_act, b_dev]).reshape(NHEAD, 1)
    main = _dense_call(embed_states, w_t, b_t, block_rows=4096)
    clse = _sc_call(main, idx, dense_block=4096)
    out3 = _comb_call(main, idx, clse, block_rows=4096)
    return out3.transpose(0, 2, 1).reshape(n, a)

# --- scband reference (transcript-rebuilt; emitter-appended) ---
"""Pipeline reference for scband-actor-33449205301620 (READ-ONLY COPY).

The authoritative reference and input builder live on the scoring server;
editing this copy changes nothing except your own understanding.
"""

import jax, jax.numpy as jnp
import numpy as np

B = 16
N = 32768
E = 128
A = 8

def setup_inputs(seed: int = 0) -> dict:
    key = jax.random.key(seed)
    k1, k2, k3, k4, k5, k6 = jax.random.split(key, 6)
    embed_states = jax.random.normal(k1, (N, E), dtype=jnp.float32)
    batch_index = jnp.sort(jax.random.randint(k2, (N,), 0, B, dtype=jnp.int64))
    bound = 1.0 / np.sqrt(E)
    W_dev = jax.random.uniform(k3, (E, 1), minval=-bound, maxval=bound, dtype=jnp.float32)
    b_dev = jax.random.uniform(k4, (1,), minval=-bound, maxval=bound, dtype=jnp.float32)
    W_act = jax.random.uniform(k5, (E, A), minval=-bound, maxval=bound, dtype=jnp.float32)
    b_act = jax.random.uniform(k6, (A,), minval=-bound, maxval=bound, dtype=jnp.float32)
    return {"embed_states": embed_states, "batch_index": batch_index, "W_dev": W_dev, "b_dev": b_dev, "W_act": W_act, "b_act": b_act}

def _scatter_log_softmax(src, index, num_segments):
    seg_max = jax.ops.segment_max(src, index, num_segments=num_segments)
    shifted = src - seg_max[index]
    seg_sum = jax.ops.segment_sum(jnp.exp(shifted), index, num_segments=num_segments)
    return shifted - jnp.log(seg_sum)[index]

def reference(embed_states, batch_index, W_dev, b_dev, W_act, b_act):
    # Linear layers
    device_select = embed_states @ W_dev + b_dev            # [N, 1]
    action_select = embed_states @ W_act + b_act            # [N, A]
    # scatter_log_softmax over groups defined by batch_index (b > 1 branch)
    log_prob_dev = _scatter_log_softmax(device_select.squeeze(-1), batch_index, B).reshape(-1, 1)
    log_prob_act = jax.nn.log_softmax(action_select, axis=-1)
    return log_prob_act + log_prob_dev

if __name__ == "__main__":
    import jax
    _d = setup_inputs()
    print(jax.jit(kernel)(*tuple(_d.values())))

</pallas_src>

<mosaic_0001>
#map = affine_map<(d0, d1) -> (0)>
module attributes {stable_mosaic.version = 14 : i64} {
  func.func @_sc_body(%arg0: i32, %arg1: i32, %arg2: memref<294912xf32, #tpu.memory_space<hbm>>, %arg3: memref<32768xi32, #tpu.memory_space<hbm>>, %arg4: memref<16xf32, #tpu.memory_space<hbm>>, %arg5: memref<2048xf32, #tpu.memory_space<vmem>>, %arg6: memref<2048xi32, #tpu.memory_space<vmem>>, %arg7: memref<16xf32, #tpu.memory_space<vmem>>, %arg8: memref<16xf32, #tpu.memory_space<vmem>>, %arg9: memref<512xf32, #tpu.memory_space<vmem_shared>>, %arg10: memref<512xf32, #tpu.memory_space<vmem>>, %arg11: memref<16xf32, #tpu.memory_space<vmem>>) attributes {dimension_semantics = [#tpu.dimension_semantics<core_parallel>, #tpu.dimension_semantics<subcore_parallel>], iteration_bounds = array<i64: 1, 16>, scalar_prefetch = 0 : i64, scratch_operands = 7 : i64, tpu.core_type = #tpu.core_type<sc_vector_subcore>, window_params = [{transform_indices = #map}, {transform_indices = #map}, {transform_indices = #map}]} {
    %jit3A = arith.constant 2 : i32
    %div3A = arith.divsi %arg1, %jit3A : i32
    %sign3A = arith.constant 0 : i32
    %sign3A_0 = arith.cmpi sgt, %arg1, %sign3A : i32
    %sign3A_1 = arith.extui %sign3A_0 : i1 to i32
    %sign3A_2 = arith.constant 0 : i32
    %sign3A_3 = arith.cmpi slt, %arg1, %sign3A_2 : i32
    %sign3A_4 = arith.extui %sign3A_3 : i1 to i32
    %sign3A_5 = arith.subi %sign3A_1, %sign3A_4 : i32
    %sign3A_6 = arith.constant 0 : i32
    %sign3A_7 = arith.cmpi sgt, %jit3A, %sign3A_6 : i32
    %sign3A_8 = arith.extui %sign3A_7 : i1 to i32
    %sign3A_9 = arith.constant 0 : i32
    %sign3A_10 = arith.cmpi slt, %jit3A, %sign3A_9 : i32
    %sign3A_11 = arith.extui %sign3A_10 : i1 to i32
    %sign3A_12 = arith.subi %sign3A_8, %sign3A_11 : i32
    %ne3A = arith.cmpi ne, %sign3A_5, %sign3A_12 : i32
    %rem3A = arith.remsi %arg1, %jit3A : i32
    %ne3A_13 = arith.constant 0 : i32
    %ne3A_14 = arith.cmpi ne, %rem3A, %ne3A_13 : i32
    %and3A = arith.andi %ne3A, %ne3A_14 : i1
    %sub3A = arith.constant 1 : i32
    %sub3A_15 = arith.subi %div3A, %sub3A : i32
    %select_n3A = arith.select %and3A, %sub3A_15, %div3A : i32
    %mul3A = arith.constant 9 : i32
    %mul3A_16 = arith.muli %select_n3A, %mul3A : i32
    %mul3A_17 = arith.constant 4096 : i32
    %mul3A_18 = arith.muli %mul3A_16, %mul3A_17 : i32
    %jit3A_19 = arith.constant 2 : i32
    %eq3A = arith.constant 0 : i32
    %eq3A_20 = arith.cmpi eq, %jit3A_19, %eq3A : i32
    %jit3A_21 = arith.constant 1 : i32
    %select_n3A_22 = arith.select %eq3A_20, %jit3A_21, %jit3A_19 : i32
    %rem3A_23 = arith.remsi %arg1, %select_n3A_22 : i32
    %ne3A_24 = arith.constant 0 : i32
    %ne3A_25 = arith.cmpi ne, %rem3A_23, %ne3A_24 : i32
    %lt3A = arith.constant 0 : i32
    %lt3A_26 = arith.cmpi slt, %rem3A_23, %lt3A : i32
    %lt3A_27 = arith.constant 0 : i32
    %lt3A_28 = arith.cmpi slt, %select_n3A_22, %lt3A_27 : i32
    %ne3A_29 = arith.xori %lt3A_26, %lt3A_28 : i1
    %and3A_30 = arith.andi %ne3A_29, %ne3A_25 : i1
    %add3A = arith.addi %rem3A_23, %select_n3A_22 : i32
    %select_n3A_31 = arith.select %and3A_30, %add3A, %rem3A_23 : i32
    %mul3A_32 = arith.constant 2048 : i32
    %mul3A_33 = arith.muli %select_n3A_31, %mul3A_32 : i32
    %add3A_34 = arith.addi %mul3A_18, %mul3A_33 : i32
    %add3A_35 = arith.constant 32768 : i32
    %add3A_36 = arith.addi %add3A_34, %add3A_35 : i32
    "tpu.region"() ({
      %run_scoped3A = tpu.sem_alloc : memref<!tpu.dma_semaphore, #tpu.memory_space<semaphore_mem>>
      %dma_start3A = tpu.memref_slice %arg2[%add3A_36] : memref<294912xf32, #tpu.memory_space<hbm>> -> memref<2048xf32, #tpu.memory_space<hbm>>
      %dma_start3A_74 = tpu.memref_slice %arg2[%add3A_36] : memref<294912xf32, #tpu.memory_space<hbm>> -> memref<2048xf32, #tpu.memory_space<hbm>>
      tpu.enqueue_dma source(%dma_start3A_74 : memref<2048xf32, #tpu.memory_space<hbm>>) target(%arg5 : memref<2048xf32, #tpu.memory_space<vmem>>) target_semaphore(%run_scoped3A : memref<!tpu.dma_semaphore, #tpu.memory_space<semaphore_mem>>)
      %dma_wait3A = tpu.memref_slice %arg2[%add3A_36] : memref<294912xf32, #tpu.memory_space<hbm>> -> memref<2048xf32, #tpu.memory_space<hbm>>
      %dma_wait3A_75 = tpu.memref_slice %arg2[%add3A_36] : memref<294912xf32, #tpu.memory_space<hbm>> -> memref<2048xf32, #tpu.memory_space<hbm>>
      tpu.wait_dma2 semaphore(%run_scoped3A : memref<!tpu.dma_semaphore, #tpu.memory_space<semaphore_mem>>) src(%dma_wait3A_75 : memref<2048xf32, #tpu.memory_space<hbm>>) dst(%arg5 : memref<2048xf32, #tpu.memory_space<vmem>>)
      tpu.yield
    }) : () -> ()
    %mul3A_37 = arith.constant 2048 : i32
    %mul3A_38 = arith.muli %arg1, %mul3A_37 : i32
    "tpu.region"() ({
      %run_scoped3A = tpu.sem_alloc : memref<!tpu.dma_semaphore, #tpu.memory_space<semaphore_mem>>
      %dma_start3A = tpu.memref_slice %arg3[%mul3A_38] : memref<32768xi32, #tpu.memory_space<hbm>> -> memref<2048xi32, #tpu.memory_space<hbm>>
      %dma_start3A_74 = tpu.memref_slice %arg3[%mul3A_38] : memref<32768xi32, #tpu.memory_space<hbm>> -> memref<2048xi32, #tpu.memory_space<hbm>>
      tpu.enqueue_dma source(%dma_start3A_74 : memref<2048xi32, #tpu.memory_space<hbm>>) target(%arg6 : memref<2048xi32, #tpu.memory_space<vmem>>) target_semaphore(%run_scoped3A : memref<!tpu.dma_semaphore, #tpu.memory_space<semaphore_mem>>)
      %dma_wait3A = tpu.memref_slice %arg3[%mul3A_38] : memref<32768xi32, #tpu.memory_space<hbm>> -> memref<2048xi32, #tpu.memory_space<hbm>>
      %dma_wait3A_75 = tpu.memref_slice %arg3[%mul3A_38] : memref<32768xi32, #tpu.memory_space<hbm>> -> memref<2048xi32, #tpu.memory_space<hbm>>
      tpu.wait_dma2 semaphore(%run_scoped3A : memref<!tpu.dma_semaphore, #tpu.memory_space<semaphore_mem>>) src(%dma_wait3A_75 : memref<2048xi32, #tpu.memory_space<hbm>>) dst(%arg6 : memref<2048xi32, #tpu.memory_space<vmem>>)
      tpu.yield
    }) : () -> ()
    %iota3A = tpu.iota {dimensions = array<i32: 0>} : vector<16xi32>
    %broadcast_in_dim3A = arith.constant 0.000000e+00 : f32
    %broadcast_in_dim3A_39 = vector.broadcast %broadcast_in_dim3A : f32 to vector<16xf32>
    %swap3A = arith.constant 0 : index
    %swap3A_40 = tpu.vector_load %arg8[%swap3A] {strides = array<i32>} : memref<16xf32, #tpu.memory_space<vmem>>, vector<16xf32>,
    tpu.vector_store %arg8[%swap3A], %broadcast_in_dim3A_39 {strides = array<i32>} : memref<16xf32, #tpu.memory_space<vmem>>, vector<16xf32>,
    %get3A = arith.constant 0 : index
    %get3A_41 = tpu.vector_load %arg6[%get3A] {strides = array<i32>} : memref<2048xi32, #tpu.memory_space<vmem>>, vector<16xi32>,
    %slice3A = vector.extract_strided_slice %get3A_41 {offsets = [0], sizes = [1], strides = [1]} : vector<16xi32> to vector<1xi32>
    %squeeze3A = vector.extract %slice3A[0] : i32 from vector<1xi32>
    %get3A_42 = arith.constant 2032 : index
    %get3A_43 = tpu.vector_load %arg6[%get3A_42] {strides = array<i32>} : memref<2048xi32, #tpu.memory_space<vmem>>, vector<16xi32>,
    %slice3A_44 = vector.extract_strided_slice %get3A_43 {offsets = [15], sizes = [1], strides = [1]} : vector<16xi32> to vector<1xi32>
    %squeeze3A_45 = vector.extract %slice3A_44[0] : i32 from vector<1xi32>
    %eq3A_46 = arith.cmpi eq, %squeeze3A, %squeeze3A_45 : i32
    %convert_element_type3A = arith.extui %eq3A_46 : i1 to i32
    %cond3A = arith.constant 0xFF800000 : f32
    %cond3A_47 = arith.constant 0 : i32
    %cond3A_48 = arith.cmpi ne, %convert_element_type3A, %cond3A_47 : i32
    scf.if %cond3A_48 {
      %broadcast_in_dim3A_74 = vector.broadcast %cond3A : f32 to vector<16xf32>
      %scan3A = arith.constant 0 : i32
      %scan3A_75 = arith.constant 128 : i32
      %scan3A_76 = arith.addi %scan3A, %scan3A_75 : i32
      %scan3A_77 = arith.constant 8 : i32
      %scan3A_78 = scf.for %scan3A_109 = %scan3A to %scan3A_76 step %scan3A_77 iter_args(%scan3A_110 = %broadcast_in_dim3A_74) -> (vector<16xf32>)  : i32 {
        %mul3A_111 = arith.constant 16 : i32
        %mul3A_112 = arith.muli %scan3A_109, %mul3A_111 : i32
        %get3A_113 = arith.index_cast %mul3A_112 : i32 to index
        %get3A_114 = tpu.vector_load %arg5[%get3A_113] {strides = array<i32>} : memref<2048xf32, #tpu.memory_space<vmem>>, vector<16xf32>,
        %max3A = arith.maximumf %scan3A_110, %get3A_114 : vector<16xf32>
        %scan3A_115 = arith.constant 1 : i32
        %scan3A_116 = arith.addi %scan3A_109, %scan3A_115 : i32
        %mul3A_117 = arith.constant 16 : i32
        %mul3A_118 = arith.muli %scan3A_116, %mul3A_117 : i32
        %get3A_119 = arith.index_cast %mul3A_118 : i32 to index
        %get3A_120 = tpu.vector_load %arg5[%get3A_119] {strides = array<i32>} : memref<2048xf32, #tpu.memory_space<vmem>>, vector<16xf32>,
        %max3A_121 = arith.maximumf %max3A, %get3A_120 : vector<16xf32>
        %scan3A_122 = arith.constant 2 : i32
        %scan3A_123 = arith.addi %scan3A_109, %scan3A_122 : i32
        %mul3A_124 = arith.constant 16 : i32
        %mul3A_125 = arith.muli %scan3A_123, %mul3A_124 : i32
        %get3A_126 = arith.index_cast %mul3A_125 : i32 to index
        %get3A_127 = tpu.vector_load %arg5[%get3A_126] {strides = array<i32>} : memref<2048xf32, #tpu.memory_space<vmem>>, vector<16xf32>,
        %max3A_128 = arith.maximumf %max3A_121, %get3A_127 : vector<16xf32>
        %scan3A_129 = arith.constant 3 : i32
        %scan3A_130 = arith.addi %scan3A_109, %scan3A_129 : i32
        %mul3A_131 = arith.constant 16 : i32
        %mul3A_132 = arith.muli %scan3A_130, %mul3A_131 : i32
        %get3A_133 = arith.index_cast %mul3A_132 : i32 to index
        %get3A_134 = tpu.vector_load %arg5[%get3A_133] {strides = array<i32>} : memref<2048xf32, #tpu.memory_space<vmem>>, vector<16xf32>,
        %max3A_135 = arith.maximumf %max3A_128, %get3A_134 : vector<16xf32>
        %scan3A_136 = arith.constant 4 : i32
        %scan3A_137 = arith.addi %scan3A_109, %scan3A_136 : i32
        %mul3A_138 = arith.constant 16 : i32
        %mul3A_139 = arith.muli %scan3A_137, %mul3A_138 : i32
        %get3A_140 = arith.index_cast %mul3A_139 : i32 to index
        %get3A_141 = tpu.vector_load %arg5[%get3A_140] {strides = array<i32>} : memref<2048xf32, #tpu.memory_space<vmem>>, vector<16xf32>,
        %max3A_142 = arith.maximumf %max3A_135, %get3A_141 : vector<16xf32>
        %scan3A_143 = arith.constant 5 : i32
        %scan3A_144 = arith.addi %scan3A_109, %scan3A_143 : i32
        %mul3A_145 = arith.constant 16 : i32
        %mul3A_146 = arith.muli %scan3A_144, %mul3A_145 : i32
        %get3A_147 = arith.index_cast %mul3A_146 : i32 to index
        %get3A_148 = tpu.vector_load %arg5[%get3A_147] {strides = array<i32>} : memref<2048xf32, #tpu.memory_space<vmem>>, vector<16xf32>,
        %max3A_149 = arith.maximumf %max3A_142, %get3A_148 : vector<16xf32>
        %scan3A_150 = arith.constant 6 : i32
        %scan3A_151 = arith.addi %scan3A_109, %scan3A_150 : i32
        %mul3A_152 = arith.constant 16 : i32
        %mul3A_153 = arith.muli %scan3A_151, %mul3A_152 : i32
        %get3A_154 = arith.index_cast %mul3A_153 : i32 to index
        %get3A_155 = tpu.vector_load %arg5[%get3A_154] {strides = array<i32>} : memref<2048xf32, #tpu.memory_space<vmem>>, vector<16xf32>,
        %max3A_156 = arith.maximumf %max3A_149, %get3A_155 : vector<16xf32>
        %scan3A_157 = arith.constant 7 : i32
        %scan3A_158 = arith.addi %scan3A_109, %scan3A_157 : i32
        %mul3A_159 = arith.constant 16 : i32
        %mul3A_160 = arith.muli %scan3A_158, %mul3A_159 : i32
        %get3A_161 = arith.index_cast %mul3A_160 : i32 to index
        %get3A_162 = tpu.vector_load %arg5[%get3A_161] {strides = array<i32>} : memref<2048xf32, #tpu.memory_space<vmem>>, vector<16xf32>,
        %max3A_163 = arith.maximumf %max3A_156, %get3A_162 : vector<16xf32>
        scf.yield %max3A_163 : vector<16xf32>
      }
      %scan3A_79 = arith.constant 128 : i32
      %reduce_max3A = arith.constant true
      %reduce_max3A_80 = vector.broadcast %reduce_max3A : i1 to vector<16xi1>
      %reduce_max3A_81 = tpu.scan <max>, %scan3A_78 masked %reduce_max3A_80 : vector<16xf32>, vector<16xi1> -> vector<16xf32>
      %reduce_max3A_82 = vector.extract %reduce_max3A_81[15] : f32 from vector<16xf32>
      %eq3A_83 = vector.broadcast %squeeze3A : i32 to vector<16xi32>
      %eq3A_84 = arith.cmpi eq, %iota3A, %eq3A_83 : vector<16xi32>
      %broadcast_in_dim3A_85 = vector.broadcast %reduce_max3A_82 : f32 to vector<16xf32>
      %broadcast_in_dim3A_86 = vector.broadcast %cond3A : f32 to vector<16xf32>
      %select_n3A_87 = arith.select %eq3A_84, %broadcast_in_dim3A_85, %broadcast_in_dim3A_86 : vector<16xi1>, vector<16xf32>
      %swap3A_88 = arith.constant 0 : index
      %swap3A_89 = tpu.vector_load %arg7[%swap3A_88] {strides = array<i32>} : memref<16xf32, #tpu.memory_space<vmem>>, vector<16xf32>,
      tpu.vector_store %arg7[%swap3A_88], %select_n3A_87 {strides = array<i32>} : memref<16xf32, #tpu.memory_space<vmem>>, vector<16xf32>,
      %broadcast_in_dim3A_90 = arith.constant 0.000000e+00 : f32
      %broadcast_in_dim3A_91 = vector.broadcast %broadcast_in_dim3A_90 : f32 to vector<16xf32>
      %scan3A_92 = arith.constant 0 : i32
      %scan3A_93 = arith.constant 128 : i32
      %scan3A_94 = arith.addi %scan3A_92, %scan3A_93 : i32
      %scan3A_95 = arith.constant 8 : i32
      %scan3A_96 = scf.for %scan3A_109 = %scan3A_92 to %scan3A_94 step %scan3A_95 iter_args(%scan3A_110 = %broadcast_in_dim3A_91) -> (vector<16xf32>)  : i32 {
        %mul3A_111 = arith.constant 16 : i32
        %mul3A_112 = arith.muli %scan3A_109, %mul3A_111 : i32
        %get3A_113 = arith.index_cast %mul3A_112 : i32 to index
        %get3A_114 = tpu.vector_load %arg5[%get3A_113] {strides = array<i32>} : memref<2048xf32, #tpu.memory_space<vmem>>, vector<16xf32>,
        %sub3A_115 = vector.broadcast %reduce_max3A_82 : f32 to vector<16xf32>
        %sub3A_116 = arith.subf %get3A_114, %sub3A_115 : vector<16xf32>
        %exp3A = math.exp %sub3A_116 : vector<16xf32>
        %add3A_117 = arith.addf %scan3A_110, %exp3A : vector<16xf32>
        %scan3A_118 = arith.constant 1 : i32
        %scan3A_119 = arith.addi %scan3A_109, %scan3A_118 : i32
        %mul3A_120 = arith.constant 16 : i32
        %mul3A_121 = arith.muli %scan3A_119, %mul3A_120 : i32
        %get3A_122 = arith.index_cast %mul3A_121 : i32 to index
        %get3A_123 = tpu.vector_load %arg5[%get3A_122] {strides = array<i32>} : memref<2048xf32, #tpu.memory_space<vmem>>, vector<16xf32>,
        %sub3A_124 = vector.broadcast %reduce_max3A_82 : f32 to vector<16xf32>
        %sub3A_125 = arith.subf %get3A_123, %sub3A_124 : vector<16xf32>
        %exp3A_126 = math.exp %sub3A_125 : vector<16xf32>
        %add3A_127 = arith.addf %add3A_117, %exp3A_126 : vector<16xf32>
        %scan3A_128 = arith.constant 2 : i32
        %scan3A_129 = arith.addi %scan3A_109, %scan3A_128 : i32
        %mul3A_130 = arith.constant 16 : i32
        %mul3A_131 = arith.muli %scan3A_129, %mul3A_130 : i32
        %get3A_132 = arith.index_cast %mul3A_131 : i32 to index
        %get3A_133 = tpu.vector_load %arg5[%get3A_132] {strides = array<i32>} : memref<2048xf32, #tpu.memory_space<vmem>>, vector<16xf32>,
        %sub3A_134 = vector.broadcast %reduce_max3A_82 : f32 to vector<16xf32>
        %sub3A_135 = arith.subf %get3A_133, %sub3A_134 : vector<16xf32>
        %exp3A_136 = math.exp %sub3A_135 : vector<16xf32>
        %add3A_137 = arith.addf %add3A_127, %exp3A_136 : vector<16xf32>
        %scan3A_138 = arith.constant 3 : i32
        %scan3A_139 = arith.addi %scan3A_109, %scan3A_138 : i32
        %mul3A_140 = arith.constant 16 : i32
        %mul3A_141 = arith.muli %scan3A_139, %mul3A_140 : i32
        %get3A_142 = arith.index_cast %mul3A_141 : i32 to index
        %get3A_143 = tpu.vector_load %arg5[%get3A_142] {strides = array<i32>} : memref<2048xf32, #tpu.memory_space<vmem>>, vector<16xf32>,
        %sub3A_144 = vector.broadcast %reduce_max3A_82 : f32 to vector<16xf32>
        %sub3A_145 = arith.subf %get3A_143, %sub3A_144 : vector<16xf32>
        %exp3A_146 = math.exp %sub3A_145 : vector<16xf32>
        %add3A_147 = arith.addf %add3A_137, %exp3A_146 : vector<16xf32>
        %scan3A_148 = arith.constant 4 : i32
        %scan3A_149 = arith.addi %scan3A_109, %scan3A_148 : i32
        %mul3A_150 = arith.constant 16 : i32
        %mul3A_151 = arith.muli %scan3A_149, %mul3A_150 : i32
        %get3A_152 = arith.index_cast %mul3A_151 : i32 to index
        %get3A_153 = tpu.vector_load %arg5[%get3A_152] {strides = array<i32>} : memref<2048xf32, #tpu.memory_space<vmem>>, vector<16xf32>,
        %sub3A_154 = vector.broadcast %reduce_max3A_82 : f32 to vector<16xf32>
        %sub3A_155 = arith.subf %get3A_153, %sub3A_154 : vector<16xf32>
        %exp3A_156 = math.exp %sub3A_155 : vector<16xf32>
        %add3A_157 = arith.addf %add3A_147, %exp3A_156 : vector<16xf32>
        %scan3A_158 = arith.constant 5 : i32
        %scan3A_159 = arith.addi %scan3A_109, %scan3A_158 : i32
        %mul3A_160 = arith.constant 16 : i32
        %mul3A_161 = arith.muli %scan3A_159, %mul3A_160 : i32
        %get3A_162 = arith.index_cast %mul3A_161 : i32 to index
        %get3A_163 = tpu.vector_load %arg5[%get3A_162] {strides = array<i32>} : memref<2048xf32, #tpu.memory_space<vmem>>, vector<16xf32>,
        %sub3A_164 = vector.broadcast %reduce_max3A_82 : f32 to vector<16xf32>
        %sub3A_165 = arith.subf %get3A_163, %sub3A_164 : vector<16xf32>
        %exp3A_166 = math.exp %sub3A_165 : vector<16xf32>
        %add3A_167 = arith.addf %add3A_157, %exp3A_166 : vector<16xf32>
        %scan3A_168 = arith.constant 6 : i32
        %scan3A_169 = arith.addi %scan3A_109, %scan3A_168 : i32
        %mul3A_170 = arith.constant 16 : i32
        %mul3A_171 = arith.muli %scan3A_169, %mul3A_170 : i32
        %get3A_172 = arith.index_cast %mul3A_171 : i32 to index
        %get3A_173 = tpu.vector_load %arg5[%get3A_172] {strides = array<i32>} : memref<2048xf32, #tpu.memory_space<vmem>>, vector<16xf32>,
        %sub3A_174 = vector.broadcast %reduce_max3A_82 : f32 to vector<16xf32>
        %sub3A_175 = arith.subf %get3A_173, %sub3A_174 : vector<16xf32>
        %exp3A_176 = math.exp %sub3A_175 : vector<16xf32>
        %add3A_177 = arith.addf %add3A_167, %exp3A_176 : vector<16xf32>
        %scan3A_178 = arith.constant 7 : i32
        %scan3A_179 = arith.addi %scan3A_109, %scan3A_178 : i32
        %mul3A_180 = arith.constant 16 : i32
        %mul3A_181 = arith.muli %scan3A_179, %mul3A_180 : i32
        %get3A_182 = arith.index_cast %mul3A_181 : i32 to index
        %get3A_183 = tpu.vector_load %arg5[%get3A_182] {strides = array<i32>} : memref<2048xf32, #tpu.memory_space<vmem>>, vector<16xf32>,
        %sub3A_184 = vector.broadcast %reduce_max3A_82 : f32 to vector<16xf32>
        %sub3A_185 = arith.subf %get3A_183, %sub3A_184 : vector<16xf32>
        %exp3A_186 = math.exp %sub3A_185 : vector<16xf32>
        %add3A_187 = arith.addf %add3A_177, %exp3A_186 : vector<16xf32>
        scf.yield %add3A_187 : vector<16xf32>
      }
      %scan3A_97 = arith.constant 128 : i32
      %eq3A_98 = vector.broadcast %squeeze3A : i32 to vector<16xi32>
      %eq3A_99 = arith.cmpi eq, %iota3A, %eq3A_98 : vector<16xi32>
      %reduce_sum3A = arith.constant true
      %reduce_sum3A_100 = vector.broadcast %reduce_sum3A : i1 to vector<16xi1>
      %reduce_sum3A_101 = tpu.scan <sum>, %scan3A_96 masked %reduce_sum3A_100 : vector<16xf32>, vector<16xi1> -> vector<16xf32>
      %reduce_sum3A_102 = vector.extract %reduce_sum3A_101[15] : f32 from vector<16xf32>
      %jit3A_103 = arith.constant 0.000000e+00 : f32
      %broadcast_in_dim3A_104 = vector.broadcast %reduce_sum3A_102 : f32 to vector<16xf32>
      %broadcast_in_dim3A_105 = vector.broadcast %jit3A_103 : f32 to vector<16xf32>
      %select_n3A_106 = arith.select %eq3A_99, %broadcast_in_dim3A_104, %broadcast_in_dim3A_105 : vector<16xi1>, vector<16xf32>
      %swap3A_107 = arith.constant 0 : index
      %swap3A_108 = tpu.vector_load %arg8[%swap3A_107] {strides = array<i32>} : memref<16xf32, #tpu.memory_space<vmem>>, vector<16xf32>,
      tpu.vector_store %arg8[%swap3A_107], %select_n3A_106 {strides = array<i32>} : memref<16xf32, #tpu.memory_space<vmem>>, vector<16xf32>,
    } else {
    }
    %ne3A_49 = arith.cmpi ne, %squeeze3A, %squeeze3A_45 : i32
    %convert_element_type3A_50 = arith.extui %ne3A_49 : i1 to i32
    %cond3A_51 = arith.constant 0xFF800000 : f32
    %cond3A_52 = arith.constant 0 : i32
    %cond3A_53 = arith.cmpi ne, %convert_element_type3A_50, %cond3A_52 : i32
    scf.if %cond3A_53 {
      %broadcast_in_dim3A_74 = vector.broadcast %cond3A_51 : f32 to vector<16xf32>
      %scan3A = arith.constant 0 : i32
      %scan3A_75 = arith.constant 128 : i32
      %scan3A_76 = arith.addi %scan3A, %scan3A_75 : i32
      %scan3A_77 = arith.constant 1 : i32
      %scan3A_78 = scf.for %scan3A_82 = %scan3A to %scan3A_76 step %scan3A_77 iter_args(%scan3A_83 = %broadcast_in_dim3A_74) -> (vector<16xf32>)  : i32 {
        %mul3A_84 = arith.constant 16 : i32
        %mul3A_85 = arith.muli %scan3A_82, %mul3A_84 : i32
        %get3A_86 = arith.index_cast %mul3A_85 : i32 to index
        %get3A_87 = tpu.vector_load %arg5[%get3A_86] {strides = array<i32>} : memref<2048xf32, #tpu.memory_space<vmem>>, vector<16xf32>,
        %mul3A_88 = arith.constant 16 : i32
        %mul3A_89 = arith.muli %scan3A_82, %mul3A_88 : i32
        %get3A_90 = arith.index_cast %mul3A_89 : i32 to index
        %get3A_91 = tpu.vector_load %arg6[%get3A_90] {strides = array<i32>} : memref<2048xi32, #tpu.memory_space<vmem>>, vector<16xi32>,
        %slice3A_92 = vector.extract_strided_slice %get3A_91 {offsets = [0], sizes = [1], strides = [1]} : vector<16xi32> to vector<1xi32>
        %squeeze3A_93 = vector.extract %slice3A_92[0] : i32 from vector<1xi32>
        %slice3A_94 = vector.extract_strided_slice %get3A_91 {offsets = [15], sizes = [1], strides = [1]} : vector<16xi32> to vector<1xi32>
        %squeeze3A_95 = vector.extract %slice3A_94[0] : i32 from vector<1xi32>
        %eq3A_96 = arith.cmpi eq, %squeeze3A_93, %squeeze3A_95 : i32
        %convert_element_type3A_97 = arith.extui %eq3A_96 : i1 to i32
        %cond3A_98 = arith.constant 0 : i32
        %cond3A_99 = arith.cmpi ne, %convert_element_type3A_97, %cond3A_98 : i32
        %cond3A_100 = scf.if %cond3A_99 -> (vector<16xf32>) {
          %eq3A_101 = vector.broadcast %squeeze3A_93 : i32 to vector<16xi32>
          %eq3A_102 = arith.cmpi eq, %iota3A, %eq3A_101 : vector<16xi32>
          %reduce_max3A = arith.constant true
          %reduce_max3A_103 = vector.broadcast %reduce_max3A : i1 to vector<16xi1>
          %reduce_max3A_104 = tpu.scan <max>, %get3A_87 masked %reduce_max3A_103 : vector<16xf32>, vector<16xi1> -> vector<16xf32>
          %reduce_max3A_105 = vector.extract %reduce_max3A_104[15] : f32 from vector<16xf32>
          %max3A = vector.broadcast %reduce_max3A_105 : f32 to vector<16xf32>
          %max3A_106 = arith.maximumf %scan3A_83, %max3A : vector<16xf32>
          %select_n3A_107 = arith.select %eq3A_102, %max3A_106, %scan3A_83 : vector<16xi1>, vector<16xf32>
          scf.yield %select_n3A_107 : vector<16xf32>
        } else {
          %scan3A_101 = arith.constant 0 : i32
          %scan3A_102 = arith.constant 16 : i32
          %scan3A_103 = arith.addi %scan3A_101, %scan3A_102 : i32
          %scan3A_104 = arith.constant 1 : i32
          %scan3A_105 = scf.for %scan3A_107 = %scan3A_101 to %scan3A_103 step %scan3A_104 iter_args(%scan3A_108 = %scan3A_83) -> (vector<16xf32>)  : i32 {
            %eq3A_109 = vector.broadcast %scan3A_107 : i32 to vector<16xi32>
            %eq3A_110 = arith.cmpi eq, %get3A_91, %eq3A_109 : vector<16xi32>
            %broadcast_in_dim3A_111 = vector.broadcast %cond3A_51 : f32 to vector<16xf32>
            %select_n3A_112 = arith.select %eq3A_110, %get3A_87, %broadcast_in_dim3A_111 : vector<16xi1>, vector<16xf32>
            %reduce_max3A = arith.constant true
            %reduce_max3A_113 = vector.broadcast %reduce_max3A : i1 to vector<16xi1>
            %reduce_max3A_114 = tpu.scan <max>, %select_n3A_112 masked %reduce_max3A_113 : vector<16xf32>, vector<16xi1> -> vector<16xf32>
            %reduce_max3A_115 = vector.extract %reduce_max3A_114[15] : f32 from vector<16xf32>
            %eq3A_116 = vector.broadcast %scan3A_107 : i32 to vector<16xi32>
            %eq3A_117 = arith.cmpi eq, %iota3A, %eq3A_116 : vector<16xi32>
            %max3A = vector.broadcast %reduce_max3A_115 : f32 to vector<16xf32>
            %max3A_118 = arith.maximumf %scan3A_108, %max3A : vector<16xf32>
            %select_n3A_119 = arith.select %eq3A_117, %max3A_118, %scan3A_108 : vector<16xi1>, vector<16xf32>
            scf.yield %select_n3A_119 : vector<16xf32>
          }
          %scan3A_106 = arith.constant 16 : i32
          scf.yield %scan3A_105 : vector<16xf32>
        }
        scf.yield %cond3A_100 : vector<16xf32>
      }
      %scan3A_79 = arith.constant 128 : i32
      %swap3A_80 = arith.constant 0 : index
      %swap3A_81 = tpu.vector_load %arg7[%swap3A_80] {strides = array<i32>} : memref<16xf32, #tpu.memory_space<vmem>>, vector<16xf32>,
      tpu.vector_store %arg7[%swap3A_80], %scan3A_78 {strides = array<i32>} : memref<16xf32, #tpu.memory_space<vmem>>, vector<16xf32>,
    } else {
    }
    %ne3A_54 = arith.cmpi ne, %squeeze3A, %squeeze3A_45 : i32
    %convert_element_type3A_55 = arith.extui %ne3A_54 : i1 to i32
    %cond3A_56 = arith.constant 0 : i32
    %cond3A_57 = arith.cmpi ne, %convert_element_type3A_55, %cond3A_56 : i32
    scf.if %cond3A_57 {
      %scan3A = arith.constant 0 : i32
      %scan3A_74 = arith.constant 0 : i32
      %scan3A_75 = arith.constant 128 : i32
      %scan3A_76 = arith.addi %scan3A_74, %scan3A_75 : i32
      %scan3A_77 = arith.constant 8 : i32
      scf.for %scan3A_79 = %scan3A_74 to %scan3A_76 step %scan3A_77  : i32 {
        %mul3A_80 = arith.constant 16 : i32
        %mul3A_81 = arith.muli %scan3A_79, %mul3A_80 : i32
        %get3A_82 = arith.index_cast %mul3A_81 : i32 to index
        %get3A_83 = tpu.vector_load %arg5[%get3A_82] {strides = array<i32>} : memref<2048xf32, #tpu.memory_space<vmem>>, vector<16xf32>,
        %mul3A_84 = arith.constant 16 : i32
        %mul3A_85 = arith.muli %scan3A_79, %mul3A_84 : i32
        %get3A_86 = arith.index_cast %mul3A_85 : i32 to index
        %get3A_87 = tpu.vector_load %arg6[%get3A_86] {strides = array<i32>} : memref<2048xi32, #tpu.memory_space<vmem>>, vector<16xi32>,
        %gather3A = tpu.vector_load_idx %arg7[%get3A_87] : memref<16xf32, #tpu.memory_space<vmem>>[vector<16xi32>], vector<16xf32>,
        %sub3A_88 = arith.subf %get3A_83, %gather3A : vector<16xf32>
        %exp3A = math.exp %sub3A_88 : vector<16xf32>
        tpu.vector_store_idx %arg8[%get3A_87], %exp3A {add = true} : memref<16xf32, #tpu.memory_space<vmem>>[vector<16xi32>], vector<16xf32>,
        %scan3A_89 = arith.constant 1 : i32
        %scan3A_90 = arith.addi %scan3A_79, %scan3A_89 : i32
        %mul3A_91 = arith.constant 16 : i32
        %mul3A_92 = arith.muli %scan3A_90, %mul3A_91 : i32
        %get3A_93 = arith.index_cast %mul3A_92 : i32 to index
        %get3A_94 = tpu.vector_load %arg5[%get3A_93] {strides = array<i32>} : memref<2048xf32, #tpu.memory_space<vmem>>, vector<16xf32>,
        %mul3A_95 = arith.constant 16 : i32
        %mul3A_96 = arith.muli %scan3A_90, %mul3A_95 : i32
        %get3A_97 = arith.index_cast %mul3A_96 : i32 to index
        %get3A_98 = tpu.vector_load %arg6[%get3A_97] {strides = array<i32>} : memref<2048xi32, #tpu.memory_space<vmem>>, vector<16xi32>,
        %gather3A_99 = tpu.vector_load_idx %arg7[%get3A_98] : memref<16xf32, #tpu.memory_space<vmem>>[vector<16xi32>], vector<16xf32>,
        %sub3A_100 = arith.subf %get3A_94, %gather3A_99 : vector<16xf32>
        %exp3A_101 = math.exp %sub3A_100 : vector<16xf32>
        tpu.vector_store_idx %arg8[%get3A_98], %exp3A_101 {add = true} : memref<16xf32, #tpu.memory_space<vmem>>[vector<16xi32>], vector<16xf32>,
        %scan3A_102 = arith.constant 2 : i32
        %scan3A_103 = arith.addi %scan3A_79, %scan3A_102 : i32
        %mul3A_104 = arith.constant 16 : i32
        %mul3A_105 = arith.muli %scan3A_103, %mul3A_104 : i32
        %get3A_106 = arith.index_cast %mul3A_105 : i32 to index
        %get3A_107 = tpu.vector_load %arg5[%get3A_106] {strides = array<i32>} : memref<2048xf32, #tpu.memory_space<vmem>>, vector<16xf32>,
        %mul3A_108 = arith.constant 16 : i32
        %mul3A_109 = arith.muli %scan3A_103, %mul3A_108 : i32
        %get3A_110 = arith.index_cast %mul3A_109 : i32 to index
        %get3A_111 = tpu.vector_load %arg6[%get3A_110] {strides = array<i32>} : memref<2048xi32, #tpu.memory_space<vmem>>, vector<16xi32>,
        %gather3A_112 = tpu.vector_load_idx %arg7[%get3A_111] : memref<16xf32, #tpu.memory_space<vmem>>[vector<16xi32>], vector<16xf32>,
        %sub3A_113 = arith.subf %get3A_107, %gather3A_112 : vector<16xf32>
        %exp3A_114 = math.exp %sub3A_113 : vector<16xf32>
        tpu.vector_store_idx %arg8[%get3A_111], %exp3A_114 {add = true} : memref<16xf32, #tpu.memory_space<vmem>>[vector<16xi32>], vector<16xf32>,
        %scan3A_115 = arith.constant 3 : i32
        %scan3A_116 = arith.addi %scan3A_79, %scan3A_115 : i32
        %mul3A_117 = arith.constant 16 : i32
        %mul3A_118 = arith.muli %scan3A_116, %mul3A_117 : i32
        %get3A_119 = arith.index_cast %mul3A_118 : i32 to index
        %get3A_120 = tpu.vector_load %arg5[%get3A_119] {strides = array<i32>} : memref<2048xf32, #tpu.memory_space<vmem>>, vector<16xf32>,
        %mul3A_121 = arith.constant 16 : i32
        %mul3A_122 = arith.muli %scan3A_116, %mul3A_121 : i32
        %get3A_123 = arith.index_cast %mul3A_122 : i32 to index
        %get3A_124 = tpu.vector_load %arg6[%get3A_123] {strides = array<i32>} : memref<2048xi32, #tpu.memory_space<vmem>>, vector<16xi32>,
        %gather3A_125 = tpu.vector_load_idx %arg7[%get3A_124] : memref<16xf32, #tpu.memory_space<vmem>>[vector<16xi32>], vector<16xf32>,
        %sub3A_126 = arith.subf %get3A_120, %gather3A_125 : vector<16xf32>
        %exp3A_127 = math.exp %sub3A_126 : vector<16xf32>
        tpu.vector_store_idx %arg8[%get3A_124], %exp3A_127 {add = true} : memref<16xf32, #tpu.memory_space<vmem>>[vector<16xi32>], vector<16xf32>,
        %scan3A_128 = arith.constant 4 : i32
        %scan3A_129 = arith.addi %scan3A_79, %scan3A_128 : i32
        %mul3A_130 = arith.constant 16 : i32
        %mul3A_131 = arith.muli %scan3A_129, %mul3A_130 : i32
        %get3A_132 = arith.index_cast %mul3A_131 : i32 to index
        %get3A_133 = tpu.vector_load %arg5[%get3A_132] {strides = array<i32>} : memref<2048xf32, #tpu.memory_space<vmem>>, vector<16xf32>,
        %mul3A_134 = arith.constant 16 : i32
        %mul3A_135 = arith.muli %scan3A_129, %mul3A_134 : i32
        %get3A_136 = arith.index_cast %mul3A_135 : i32 to index
        %get3A_137 = tpu.vector_load %arg6[%get3A_136] {strides = array<i32>} : memref<2048xi32, #tpu.memory_space<vmem>>, vector<16xi32>,
        %gather3A_138 = tpu.vector_load_idx %arg7[%get3A_137] : memref<16xf32, #tpu.memory_space<vmem>>[vector<16xi32>], vector<16xf32>,
        %sub3A_139 = arith.subf %get3A_133, %gather3A_138 : vector<16xf32>
        %exp3A_140 = math.exp %sub3A_139 : vector<16xf32>
        tpu.vector_store_idx %arg8[%get3A_137], %exp3A_140 {add = true} : memref<16xf32, #tpu.memory_space<vmem>>[vector<16xi32>], vector<16xf32>,
        %scan3A_141 = arith.constant 5 : i32
        %scan3A_142 = arith.addi %scan3A_79, %scan3A_141 : i32
        %mul3A_143 = arith.constant 16 : i32
        %mul3A_144 = arith.muli %scan3A_142, %mul3A_143 : i32
        %get3A_145 = arith.index_cast %mul3A_144 : i32 to index
        %get3A_146 = tpu.vector_load %arg5[%get3A_145] {strides = array<i32>} : memref<2048xf32, #tpu.memory_space<vmem>>, vector<16xf32>,
        %mul3A_147 = arith.constant 16 : i32
        %mul3A_148 = arith.muli %scan3A_142, %mul3A_147 : i32
        %get3A_149 = arith.index_cast %mul3A_148 : i32 to index
        %get3A_150 = tpu.vector_load %arg6[%get3A_149] {strides = array<i32>} : memref<2048xi32, #tpu.memory_space<vmem>>, vector<16xi32>,
        %gather3A_151 = tpu.vector_load_idx %arg7[%get3A_150] : memref<16xf32, #tpu.memory_space<vmem>>[vector<16xi32>], vector<16xf32>,
        %sub3A_152 = arith.subf %get3A_146, %gather3A_151 : vector<16xf32>
        %exp3A_153 = math.exp %sub3A_152 : vector<16xf32>
        tpu.vector_store_idx %arg8[%get3A_150], %exp3A_153 {add = true} : memref<16xf32, #tpu.memory_space<vmem>>[vector<16xi32>], vector<16xf32>,
        %scan3A_154 = arith.constant 6 : i32
        %scan3A_155 = arith.addi %scan3A_79, %scan3A_154 : i32
        %mul3A_156 = arith.constant 16 : i32
        %mul3A_157 = arith.muli %scan3A_155, %mul3A_156 : i32
        %get3A_158 = arith.index_cast %mul3A_157 : i32 to index
        %get3A_159 = tpu.vector_load %arg5[%get3A_158] {strides = array<i32>} : memref<2048xf32, #tpu.memory_space<vmem>>, vector<16xf32>,
        %mul3A_160 = arith.constant 16 : i32
        %mul3A_161 = arith.muli %scan3A_155, %mul3A_160 : i32
        %get3A_162 = arith.index_cast %mul3A_161 : i32 to index
        %get3A_163 = tpu.vector_load %arg6[%get3A_162] {strides = array<i32>} : memref<2048xi32, #tpu.memory_space<vmem>>, vector<16xi32>,
        %gather3A_164 = tpu.vector_load_idx %arg7[%get3A_163] : memref<16xf32, #tpu.memory_space<vmem>>[vector<16xi32>], vector<16xf32>,
        %sub3A_165 = arith.subf %get3A_159, %gather3A_164 : vector<16xf32>
        %exp3A_166 = math.exp %sub3A_165 : vector<16xf32>
        tpu.vector_store_idx %arg8[%get3A_163], %exp3A_166 {add = true} : memref<16xf32, #tpu.memory_space<vmem>>[vector<16xi32>], vector<16xf32>,
        %scan3A_167 = arith.constant 7 : i32
        %scan3A_168 = arith.addi %scan3A_79, %scan3A_167 : i32
        %mul3A_169 = arith.constant 16 : i32
        %mul3A_170 = arith.muli %scan3A_168, %mul3A_169 : i32
        %get3A_171 = arith.index_cast %mul3A_170 : i32 to index
        %get3A_172 = tpu.vector_load %arg5[%get3A_171] {strides = array<i32>} : memref<2048xf32, #tpu.memory_space<vmem>>, vector<16xf32>,
        %mul3A_173 = arith.constant 16 : i32
        %mul3A_174 = arith.muli %scan3A_168, %mul3A_173 : i32
        %get3A_175 = arith.index_cast %mul3A_174 : i32 to index
        %get3A_176 = tpu.vector_load %arg6[%get3A_175] {strides = array<i32>} : memref<2048xi32, #tpu.memory_space<vmem>>, vector<16xi32>,
        %gather3A_177 = tpu.vector_load_idx %arg7[%get3A_176] : memref<16xf32, #tpu.memory_space<vmem>>[vector<16xi32>], vector<16xf32>,
        %sub3A_178 = arith.subf %get3A_172, %gather3A_177 : vector<16xf32>
        %exp3A_179 = math.exp %sub3A_178 : vector<16xf32>
        tpu.vector_store_idx %arg8[%get3A_176], %exp3A_179 {add = true} : memref<16xf32, #tpu.memory_space<vmem>>[vector<16xi32>], vector<16xf32>,
      }
      %scan3A_78 = arith.constant 128 : i32
    } else {
    }
    %mul3A_58 = arith.constant 2 : i32
    %mul3A_59 = arith.muli %arg1, %mul3A_58 : i32
    %mul3A_60 = arith.constant 16 : i32
    %mul3A_61 = arith.muli %mul3A_59, %mul3A_60 : i32
    "tpu.region"() ({
      %run_scoped3A = tpu.sem_alloc : memref<!tpu.dma_semaphore, #tpu.memory_space<semaphore_mem>>
      %dma_start3A = tpu.memref_slice %arg9[%mul3A_61] : memref<512xf32, #tpu.memory_space<vmem_shared>> -> memref<16xf32, #tpu.memory_space<vmem_shared>>
      %dma_start3A_74 = tpu.memref_slice %arg9[%mul3A_61] : memref<512xf32, #tpu.memory_space<vmem_shared>> -> memref<16xf32, #tpu.memory_space<vmem_shared>>
      tpu.enqueue_dma source(%arg7 : memref<16xf32, #tpu.memory_space<vmem>>) target(%dma_start3A_74 : memref<16xf32, #tpu.memory_space<vmem_shared>>) target_semaphore(%run_scoped3A : memref<!tpu.dma_semaphore, #tpu.memory_space<semaphore_mem>>)
      %dma_wait3A = tpu.memref_slice %arg9[%mul3A_61] : memref<512xf32, #tpu.memory_space<vmem_shared>> -> memref<16xf32, #tpu.memory_space<vmem_shared>>
      %dma_wait3A_75 = tpu.memref_slice %arg9[%mul3A_61] : memref<512xf32, #tpu.memory_space<vmem_shared>> -> memref<16xf32, #tpu.memory_space<vmem_shared>>
      tpu.wait_dma2 semaphore(%run_scoped3A : memref<!tpu.dma_semaphore, #tpu.memory_space<semaphore_mem>>) src(%arg7 : memref<16xf32, #tpu.memory_space<vmem>>) dst(%dma_wait3A_75 : memref<16xf32, #tpu.memory_space<vmem_shared>>)
      tpu.yield
    }) : () -> ()
    %mul3A_62 = arith.constant 2 : i32
    %mul3A_63 = arith.muli %arg1, %mul3A_62 : i32
    %mul3A_64 = arith.constant 16 : i32
    %mul3A_65 = arith.muli %mul3A_63, %mul3A_64 : i32
    %add3A_66 = arith.constant 16 : i32
    %add3A_67 = arith.addi %mul3A_65, %add3A_66 : i32
    "tpu.region"() ({
      %run_scoped3A = tpu.sem_alloc : memref<!tpu.dma_semaphore, #tpu.memory_space<semaphore_mem>>
      %dma_start3A = tpu.memref_slice %arg9[%add3A_67] : memref<512xf32, #tpu.memory_space<vmem_shared>> -> memref<16xf32, #tpu.memory_space<vmem_shared>>
      %dma_start3A_74 = tpu.memref_slice %arg9[%add3A_67] : memref<512xf32, #tpu.memory_space<vmem_shared>> -> memref<16xf32, #tpu.memory_space<vmem_shared>>
      tpu.enqueue_dma source(%arg8 : memref<16xf32, #tpu.memory_space<vmem>>) target(%dma_start3A_74 : memref<16xf32, #tpu.memory_space<vmem_shared>>) target_semaphore(%run_scoped3A : memref<!tpu.dma_semaphore, #tpu.memory_space<semaphore_mem>>)
      %dma_wait3A = tpu.memref_slice %arg9[%add3A_67] : memref<512xf32, #tpu.memory_space<vmem_shared>> -> memref<16xf32, #tpu.memory_space<vmem_shared>>
      %dma_wait3A_75 = tpu.memref_slice %arg9[%add3A_67] : memref<512xf32, #tpu.memory_space<vmem_shared>> -> memref<16xf32, #tpu.memory_space<vmem_shared>>
      tpu.wait_dma2 semaphore(%run_scoped3A : memref<!tpu.dma_semaphore, #tpu.memory_space<semaphore_mem>>) src(%arg8 : memref<16xf32, #tpu.memory_space<vmem>>) dst(%dma_wait3A_75 : memref<16xf32, #tpu.memory_space<vmem_shared>>)
      tpu.yield
    }) : () -> ()
    %barrier3A = arith.constant 0 : index
    tpu.barrier barrier_id(%barrier3A)
    %eq3A_68 = arith.constant 0 : i32
    %eq3A_69 = arith.cmpi eq, %arg1, %eq3A_68 : i32
    %convert_element_type3A_70 = arith.extui %eq3A_69 : i1 to i32
    %cond3A_71 = arith.constant 0xFF800000 : f32
    %cond3A_72 = arith.constant 0 : i32
    %cond3A_73 = arith.cmpi ne, %convert_element_type3A_70, %cond3A_72 : i32
    scf.if %cond3A_73 {
      "tpu.region"() ({
        %run_scoped3A = tpu.sem_alloc : memref<!tpu.dma_semaphore, #tpu.memory_space<semaphore_mem>>
        tpu.enqueue_dma source(%arg9 : memref<512xf32, #tpu.memory_space<vmem_shared>>) target(%arg10 : memref<512xf32, #tpu.memory_space<vmem>>) target_semaphore(%run_scoped3A : memref<!tpu.dma_semaphore, #tpu.memory_space<semaphore_mem>>)
        tpu.wait_dma2 semaphore(%run_scoped3A : memref<!tpu.dma_semaphore, #tpu.memory_space<semaphore_mem>>) src(%arg9 : memref<512xf32, #tpu.memory_space<vmem_shared>>) dst(%arg10 : memref<512xf32, #tpu.memory_space<vmem>>)
        tpu.yield
      }) : () -> ()
      %broadcast_in_dim3A_74 = vector.broadcast %cond3A_71 : f32 to vector<16xf32>
      %scan3A = arith.constant 0 : i32
      %scan3A_75 = arith.constant 16 : i32
      %scan3A_76 = arith.addi %scan3A, %scan3A_75 : i32
      %scan3A_77 = arith.constant 1 : i32
      %scan3A_78 = scf.for %scan3A_134 = %scan3A to %scan3A_76 step %scan3A_77 iter_args(%scan3A_135 = %broadcast_in_dim3A_74) -> (vector<16xf32>)  : i32 {
        %mul3A_136 = arith.constant 2 : i32
        %mul3A_137 = arith.muli %scan3A_134, %mul3A_136 : i32
        %mul3A_138 = arith.constant 16 : i32
        %mul3A_139 = arith.muli %mul3A_137, %mul3A_138 : i32
        %get3A_140 = arith.index_cast %mul3A_139 : i32 to index
        %get3A_141 = tpu.vector_load %arg10[%get3A_140] {strides = array<i32>} : memref<512xf32, #tpu.memory_space<vmem>>, vector<16xf32>,
        %max3A = arith.maximumf %scan3A_135, %get3A_141 : vector<16xf32>
        scf.yield %max3A : vector<16xf32>
      }
      %scan3A_79 = arith.constant 16 : i32
      %broadcast_in_dim3A_80 = arith.constant 0.000000e+00 : f32
      %broadcast_in_dim3A_81 = vector.broadcast %broadcast_in_dim3A_80 : f32 to vector<16xf32>
      %scan3A_82 = arith.constant 0 : i32
      %scan3A_83 = arith.constant 16 : i32
      %scan3A_84 = arith.addi %scan3A_82, %scan3A_83 : i32
      %scan3A_85 = arith.constant 1 : i32
      %scan3A_86 = scf.for %scan3A_134 = %scan3A_82 to %scan3A_84 step %scan3A_85 iter_args(%scan3A_135 = %broadcast_in_dim3A_81) -> (vector<16xf32>)  : i32 {
        %mul3A_136 = arith.constant 2 : i32
        %mul3A_137 = arith.muli %scan3A_134, %mul3A_136 : i32
        %mul3A_138 = arith.constant 16 : i32
        %mul3A_139 = arith.muli %mul3A_137, %mul3A_138 : i32
        %add3A_140 = arith.constant 16 : i32
        %add3A_141 = arith.addi %mul3A_139, %add3A_140 : i32
        %get3A_142 = arith.index_cast %add3A_141 : i32 to index
        %get3A_143 = tpu.vector_load %arg10[%get3A_142] {strides = array<i32>} : memref<512xf32, #tpu.memory_space<vmem>>, vector<16xf32>,
        %mul3A_144 = arith.constant 2 : i32
        %mul3A_145 = arith.muli %scan3A_134, %mul3A_144 : i32
        %mul3A_146 = arith.constant 16 : i32
        %mul3A_147 = arith.muli %mul3A_145, %mul3A_146 : i32
        %get3A_148 = arith.index_cast %mul3A_147 : i32 to index
        %get3A_149 = tpu.vector_load %arg10[%get3A_148] {strides = array<i32>} : memref<512xf32, #tpu.memory_space<vmem>>, vector<16xf32>,
        %sub3A_150 = arith.subf %get3A_149, %scan3A_78 : vector<16xf32>
        %exp3A_151 = math.exp %sub3A_150 : vector<16xf32>
        %mul3A_152 = arith.mulf %get3A_143, %exp3A_151 : vector<16xf32>
        %add3A_153 = arith.addf %scan3A_135, %mul3A_152 : vector<16xf32>
        scf.yield %add3A_153 : vector<16xf32>
      }
      %scan3A_87 = arith.constant 16 : i32
      %bitcast3A = vector.bitcast %scan3A_86 : vector<16xf32> to vector<16xi32>
      %shift_right_arithmetic3A = arith.constant 23 : i32
      %shift_right_arithmetic3A_88 = vector.broadcast %shift_right_arithmetic3A : i32 to vector<16xi32>
      %shift_right_arithmetic3A_89 = arith.shrsi %bitcast3A, %shift_right_arithmetic3A_88 : vector<16xi32>
      %sub3A_90 = arith.constant 127 : i32
      %sub3A_91 = vector.broadcast %sub3A_90 : i32 to vector<16xi32>
      %sub3A_92 = arith.subi %shift_right_arithmetic3A_89, %sub3A_91 : vector<16xi32>
      %convert_element_type3A_93 = arith.sitofp %sub3A_92 : vector<16xi32> to vector<16xf32>
      %mul3A_94 = arith.constant 0.693147182 : f32
      %mul3A_95 = vector.broadcast %mul3A_94 : f32 to vector<16xf32>
      %mul3A_96 = arith.mulf %convert_element_type3A_93, %mul3A_95 : vector<16xf32>
      %neg3A = arith.constant 0.000000e+00 : f32
      %neg3A_97 = vector.broadcast %neg3A : f32 to vector<16xf32>
      %neg3A_98 = arith.subf %neg3A_97, %mul3A_96 : vector<16xf32>
      %exp3A = math.exp %neg3A_98 : vector<16xf32>
      %mul3A_99 = arith.mulf %scan3A_86, %exp3A : vector<16xf32>
      %add3A_100 = arith.addf %mul3A_96, %mul3A_99 : vector<16xf32>
      %sub3A_101 = arith.constant 1.000000e+00 : f32
      %sub3A_102 = vector.broadcast %sub3A_101 : f32 to vector<16xf32>
      %sub3A_103 = arith.subf %add3A_100, %sub3A_102 : vector<16xf32>
      %neg3A_104 = arith.constant 0.000000e+00 : f32
      %neg3A_105 = vector.broadcast %neg3A_104 : f32 to vector<16xf32>
      %neg3A_106 = arith.subf %neg3A_105, %sub3A_103 : vector<16xf32>
      %exp3A_107 = math.exp %neg3A_106 : vector<16xf32>
      %mul3A_108 = arith.mulf %scan3A_86, %exp3A_107 : vector<16xf32>
      %add3A_109 = arith.addf %sub3A_103, %mul3A_108 : vector<16xf32>
      %sub3A_110 = arith.constant 1.000000e+00 : f32
      %sub3A_111 = vector.broadcast %sub3A_110 : f32 to vector<16xf32>
      %sub3A_112 = arith.subf %add3A_109, %sub3A_111 : vector<16xf32>
      %neg3A_113 = arith.constant 0.000000e+00 : f32
      %neg3A_114 = vector.broadcast %neg3A_113 : f32 to vector<16xf32>
      %neg3A_115 = arith.subf %neg3A_114, %sub3A_112 : vector<16xf32>
      %exp3A_116 = math.exp %neg3A_115 : vector<16xf32>
      %mul3A_117 = arith.mulf %scan3A_86, %exp3A_116 : vector<16xf32>
      %add3A_118 = arith.addf %sub3A_112, %mul3A_117 : vector<16xf32>
      %sub3A_119 = arith.constant 1.000000e+00 : f32
      %sub3A_120 = vector.broadcast %sub3A_119 : f32 to vector<16xf32>
      %sub3A_121 = arith.subf %add3A_118, %sub3A_120 : vector<16xf32>
      %neg3A_122 = arith.constant 0.000000e+00 : f32
      %neg3A_123 = vector.broadcast %neg3A_122 : f32 to vector<16xf32>
      %neg3A_124 = arith.subf %neg3A_123, %sub3A_121 : vector<16xf32>
      %exp3A_125 = math.exp %neg3A_124 : vector<16xf32>
      %mul3A_126 = arith.mulf %scan3A_86, %exp3A_125 : vector<16xf32>
      %add3A_127 = arith.addf %sub3A_121, %mul3A_126 : vector<16xf32>
      %sub3A_128 = arith.constant 1.000000e+00 : f32
      %sub3A_129 = vector.broadcast %sub3A_128 : f32 to vector<16xf32>
      %sub3A_130 = arith.subf %add3A_127, %sub3A_129 : vector<16xf32>
      %add3A_131 = arith.addf %scan3A_78, %sub3A_130 : vector<16xf32>
      %swap3A_132 = arith.constant 0 : index
      %swap3A_133 = tpu.vector_load %arg11[%swap3A_132] {strides = array<i32>} : memref<16xf32, #tpu.memory_space<vmem>>, vector<16xf32>,
      tpu.vector_store %arg11[%swap3A_132], %add3A_131 {strides = array<i32>} : memref<16xf32, #tpu.memory_space<vmem>>, vector<16xf32>,
      "tpu.region"() ({
        %run_scoped3A = tpu.sem_alloc : memref<!tpu.dma_semaphore, #tpu.memory_space<semaphore_mem>>
        tpu.enqueue_dma source(%arg11 : memref<16xf32, #tpu.memory_space<vmem>>) target(%arg4 : memref<16xf32, #tpu.memory_space<hbm>>) target_semaphore(%run_scoped3A : memref<!tpu.dma_semaphore, #tpu.memory_space<semaphore_mem>>)
        tpu.wait_dma2 semaphore(%run_scoped3A : memref<!tpu.dma_semaphore, #tpu.memory_space<semaphore_mem>>) src(%arg11 : memref<16xf32, #tpu.memory_space<vmem>>) dst(%arg4 : memref<16xf32, #tpu.memory_space<hbm>>)
        tpu.yield
      }) : () -> ()
    } else {
    }
    return
  }
}

module attributes {stable_mosaic.version = 14 : i64} {
  func.func @_dense_body(%arg0: i32, %arg1: memref<4096x128xf32, #tpu.memory_space<vmem>>, %arg2: memref<9x128xf32, #tpu.memory_space<vmem>>, %arg3: memref<9x1xf32, #tpu.memory_space<vmem>>, %arg4: memref<36864xf32, #tpu.memory_space<vmem>>) attributes {dimension_semantics = [#tpu.dimension_semantics<arbitrary>], iteration_bounds = array<i64: 8>, scalar_prefetch = 0 : i64, scratch_operands = 0 : i64, tpu.core_type = #tpu.core_type<tc>, window_params = [{transform_indices = @transform_0, window_bounds = array<i64: 4096, 128>}, {pipeline_mode = #tpu.pipeline_mode<synchronous>, transform_indices = @transform_1, window_bounds = array<i64: 9, 128>}, {pipeline_mode = #tpu.pipeline_mode<synchronous>, transform_indices = @transform_2, window_bounds = array<i64: 9, 1>}, {transform_indices = @transform_3, window_bounds = array<i64: 36864>}]} {
    %get3A = arith.constant 0 : index
    %get3A_0 = arith.constant 0 : index
    %get3A_1 = vector.load %arg1[%get3A, %get3A_0] : memref<4096x128xf32, #tpu.memory_space<vmem>>, vector<4096x128xf32>
    %get3A_2 = arith.constant 0 : index
    %get3A_3 = arith.constant 0 : index
    %get3A_4 = vector.load %arg2[%get3A_2, %get3A_3] : memref<9x128xf32, #tpu.memory_space<vmem>>, vector<9x128xf32>
    %dot_general3A = arith.constant dense<0.000000e+00> : vector<9x4096xf32>
    %dot_general3A_5 = tpu.matmul %get3A_4, %get3A_1, %dot_general3A {dimension_numbers = #tpu.dot_dimension_numbers<[1], [1], [0], [0], [0, 0, 1, 0], [], []>, transpose_lhs_hint = false} : vector<9x128xf32>, vector<4096x128xf32>, vector<9x4096xf32> -> vector<9x4096xf32>
    %get3A_6 = arith.constant 0 : index
    %get3A_7 = arith.constant 0 : index
    %get3A_8 = vector.load %arg3[%get3A_6, %get3A_7] : memref<9x1xf32, #tpu.memory_space<vmem>>, vector<9x1xf32>
    %add3A = vector.broadcast %get3A_8 : vector<9x1xf32> to vector<9x4096xf32>
    %add3A_9 = arith.addf %dot_general3A_5, %add3A : vector<9x4096xf32>
    %slice3A = vector.extract_strided_slice %add3A_9 {offsets = [0, 0], sizes = [8, 4096], strides = [1, 1]} : vector<9x4096xf32> to vector<8x4096xf32>
    %reduce_max3A = arith.constant dense<0xFF800000> : vector<4096xf32>
    %reduce_max3A_10 = vector.multi_reduction <maximumf>, %slice3A, %reduce_max3A [0] : vector<8x4096xf32> to vector<4096xf32>
    %broadcast_in_dim3A = vector.shape_cast %reduce_max3A_10 : vector<4096xf32> to vector<1x4096xf32>
    %sub3A = vector.broadcast %broadcast_in_dim3A : vector<1x4096xf32> to vector<8x4096xf32>
    %sub3A_11 = arith.subf %slice3A, %sub3A : vector<8x4096xf32>
    %exp3A = math.exp %sub3A_11 : vector<8x4096xf32>
    %reduce_sum3A = arith.constant dense<0.000000e+00> : vector<4096xf32>
    %reduce_sum3A_12 = vector.multi_reduction <add>, %exp3A, %reduce_sum3A [0] : vector<8x4096xf32> to vector<4096xf32>
    %broadcast_in_dim3A_13 = vector.shape_cast %reduce_sum3A_12 : vector<4096xf32> to vector<1x4096xf32>
    %log3A = math.log %broadcast_in_dim3A_13 : vector<1x4096xf32>
    %add3A_14 = arith.addf %log3A, %broadcast_in_dim3A : vector<1x4096xf32>
    %sub3A_15 = vector.broadcast %add3A_14 : vector<1x4096xf32> to vector<8x4096xf32>
    %sub3A_16 = arith.subf %slice3A, %sub3A_15 : vector<8x4096xf32>
    %slice3A_17 = vector.extract_strided_slice %add3A_9 {offsets = [8, 0], sizes = [1, 4096], strides = [1, 1]} : vector<9x4096xf32> to vector<1x4096xf32>
    %concatenate3A = tpu.concatenate %sub3A_16, %slice3A_17 in 0 : vector<8x4096xf32>, vector<1x4096xf32> -> vector<9x4096xf32>
    %reshape3A = vector.shape_cast %concatenate3A : vector<9x4096xf32> to vector<36864xf32>
    %swap3A = arith.constant 0 : index
    %swap3A_18 = vector.load %arg4[%swap3A] : memref<36864xf32, #tpu.memory_space<vmem>>, vector<36864xf32>
    tpu.vector_store %arg4[%swap3A], %reshape3A {strides = array<i32>} : memref<36864xf32, #tpu.memory_space<vmem>>, vector<36864xf32>,
    return
  }
  func.func @transform_0(%arg0: i32) -> (i32, i32) {
    %c0_i32 = arith.constant 0 : i32
    %c0_i32_0 = arith.constant 0 : i32
    return %arg0, %c0_i32 : i32, i32
  }
  func.func @transform_1(%arg0: i32) -> (i32, i32) {
    %c0_i32 = arith.constant 0 : i32
    %c0_i32_0 = arith.constant 0 : i32
    %c0_i32_1 = arith.constant 0 : i32
    return %c0_i32, %c0_i32_0 : i32, i32
  }
  func.func @transform_2(%arg0: i32) -> (i32, i32) {
    %c0_i32 = arith.constant 0 : i32
    %c0_i32_0 = arith.constant 0 : i32
    %c0_i32_1 = arith.constant 0 : i32
    return %c0_i32, %c0_i32_0 : i32, i32
  }
  func.func @transform_3(%arg0: i32) -> i32 {
    %c0_i32 = arith.constant 0 : i32
    return %arg0 : i32
  }
}

module attributes {stable_mosaic.version = 14 : i64} {
  func.func @_comb_body(%arg0: i32, %arg1: memref<36864xf32, #tpu.memory_space<vmem>>, %arg2: memref<4096xi32, #tpu.memory_space<vmem>>, %arg3: memref<16xf32, #tpu.memory_space<vmem>>, %arg4: memref<32x8x128xf32, #tpu.memory_space<vmem>>) attributes {dimension_semantics = [#tpu.dimension_semantics<arbitrary>], iteration_bounds = array<i64: 8>, scalar_prefetch = 0 : i64, scratch_operands = 0 : i64, tpu.core_type = #tpu.core_type<tc>, window_params = [{transform_indices = @transform_0, window_bounds = array<i64: 36864>}, {transform_indices = @transform_1, window_bounds = array<i64: 4096>}, {pipeline_mode = #tpu.pipeline_mode<synchronous>, transform_indices = @transform_2, window_bounds = array<i64: 16>}, {transform_indices = @transform_3, window_bounds = array<i64: 32, 8, 128>}]} {
    %get3A = arith.constant 0 : index
    %get3A_0 = vector.load %arg1[%get3A] : memref<36864xf32, #tpu.memory_space<vmem>>, vector<36864xf32>
    %reshape3A = vector.shape_cast %get3A_0 : vector<36864xf32> to vector<288x128xf32>
    %slice3A = vector.extract_strided_slice %reshape3A {offsets = [0, 0], sizes = [256, 128], strides = [1, 1]} : vector<288x128xf32> to vector<256x128xf32>
    %reshape3A_1 = vector.shape_cast %slice3A : vector<256x128xf32> to vector<8x32x128xf32>
    %slice3A_2 = vector.extract_strided_slice %reshape3A {offsets = [256, 0], sizes = [32, 128], strides = [1, 1]} : vector<288x128xf32> to vector<32x128xf32>
    %get3A_3 = arith.constant 0 : index
    %get3A_4 = vector.load %arg2[%get3A_3] : memref<4096xi32, #tpu.memory_space<vmem>>, vector<4096xi32>
    %reshape3A_5 = vector.shape_cast %get3A_4 : vector<4096xi32> to vector<32x128xi32>
    %get3A_6 = arith.constant 0 : index
    %get3A_7 = vector.load %arg3[%get3A_6] : memref<16xf32, #tpu.memory_space<vmem>>, vector<16xf32>
    %broadcast_in_dim3A = arith.constant 0.000000e+00 : f32
    %broadcast_in_dim3A_8 = vector.broadcast %broadcast_in_dim3A : f32 to vector<32x128xf32>
    %eq3A = arith.constant 0 : i32
    %eq3A_9 = vector.broadcast %eq3A : i32 to vector<32x128xi32>
    %eq3A_10 = arith.cmpi eq, %reshape3A_5, %eq3A_9 : vector<32x128xi32>
    %slice3A_11 = vector.extract_strided_slice %get3A_7 {offsets = [0], sizes = [1], strides = [1]} : vector<16xf32> to vector<1xf32>
    %squeeze3A = vector.extract %slice3A_11[0] : f32 from vector<1xf32>
    %broadcast_in_dim3A_12 = vector.broadcast %squeeze3A : f32 to vector<32x128xf32>
    %select_n3A = arith.select %eq3A_10, %broadcast_in_dim3A_12, %broadcast_in_dim3A_8 : vector<32x128xi1>, vector<32x128xf32>
    %eq3A_13 = arith.constant 1 : i32
    %eq3A_14 = vector.broadcast %eq3A_13 : i32 to vector<32x128xi32>
    %eq3A_15 = arith.cmpi eq, %reshape3A_5, %eq3A_14 : vector<32x128xi32>
    %slice3A_16 = vector.extract_strided_slice %get3A_7 {offsets = [1], sizes = [1], strides = [1]} : vector<16xf32> to vector<1xf32>
    %squeeze3A_17 = vector.extract %slice3A_16[0] : f32 from vector<1xf32>
    %broadcast_in_dim3A_18 = vector.broadcast %squeeze3A_17 : f32 to vector<32x128xf32>
    %select_n3A_19 = arith.select %eq3A_15, %broadcast_in_dim3A_18, %select_n3A : vector<32x128xi1>, vector<32x128xf32>
    %eq3A_20 = arith.constant 2 : i32
    %eq3A_21 = vector.broadcast %eq3A_20 : i32 to vector<32x128xi32>
    %eq3A_22 = arith.cmpi eq, %reshape3A_5, %eq3A_21 : vector<32x128xi32>
    %slice3A_23 = vector.extract_strided_slice %get3A_7 {offsets = [2], sizes = [1], strides = [1]} : vector<16xf32> to vector<1xf32>
    %squeeze3A_24 = vector.extract %slice3A_23[0] : f32 from vector<1xf32>
    %broadcast_in_dim3A_25 = vector.broadcast %squeeze3A_24 : f32 to vector<32x128xf32>
    %select_n3A_26 = arith.select %eq3A_22, %broadcast_in_dim3A_25, %select_n3A_19 : vector<32x128xi1>, vector<32x128xf32>
    %eq3A_27 = arith.constant 3 : i32
    %eq3A_28 = vector.broadcast %eq3A_27 : i32 to vector<32x128xi32>
    %eq3A_29 = arith.cmpi eq, %reshape3A_5, %eq3A_28 : vector<32x128xi32>
    %slice3A_30 = vector.extract_strided_slice %get3A_7 {offsets = [3], sizes = [1], strides = [1]} : vector<16xf32> to vector<1xf32>
    %squeeze3A_31 = vector.extract %slice3A_30[0] : f32 from vector<1xf32>
    %broadcast_in_dim3A_32 = vector.broadcast %squeeze3A_31 : f32 to vector<32x128xf32>
    %select_n3A_33 = arith.select %eq3A_29, %broadcast_in_dim3A_32, %select_n3A_26 : vector<32x128xi1>, vector<32x128xf32>
    %eq3A_34 = arith.constant 4 : i32
    %eq3A_35 = vector.broadcast %eq3A_34 : i32 to vector<32x128xi32>
    %eq3A_36 = arith.cmpi eq, %reshape3A_5, %eq3A_35 : vector<32x128xi32>
    %slice3A_37 = vector.extract_strided_slice %get3A_7 {offsets = [4], sizes = [1], strides = [1]} : vector<16xf32> to vector<1xf32>
    %squeeze3A_38 = vector.extract %slice3A_37[0] : f32 from vector<1xf32>
    %broadcast_in_dim3A_39 = vector.broadcast %squeeze3A_38 : f32 to vector<32x128xf32>
    %select_n3A_40 = arith.select %eq3A_36, %broadcast_in_dim3A_39, %select_n3A_33 : vector<32x128xi1>, vector<32x128xf32>
    %eq3A_41 = arith.constant 5 : i32
    %eq3A_42 = vector.broadcast %eq3A_41 : i32 to vector<32x128xi32>
    %eq3A_43 = arith.cmpi eq, %reshape3A_5, %eq3A_42 : vector<32x128xi32>
    %slice3A_44 = vector.extract_strided_slice %get3A_7 {offsets = [5], sizes = [1], strides = [1]} : vector<16xf32> to vector<1xf32>
    %squeeze3A_45 = vector.extract %slice3A_44[0] : f32 from vector<1xf32>
    %broadcast_in_dim3A_46 = vector.broadcast %squeeze3A_45 : f32 to vector<32x128xf32>
    %select_n3A_47 = arith.select %eq3A_43, %broadcast_in_dim3A_46, %select_n3A_40 : vector<32x128xi1>, vector<32x128xf32>
    %eq3A_48 = arith.constant 6 : i32
    %eq3A_49 = vector.broadcast %eq3A_48 : i32 to vector<32x128xi32>
    %eq3A_50 = arith.cmpi eq, %reshape3A_5, %eq3A_49 : vector<32x128xi32>
    %slice3A_51 = vector.extract_strided_slice %get3A_7 {offsets = [6], sizes = [1], strides = [1]} : vector<16xf32> to vector<1xf32>
    %squeeze3A_52 = vector.extract %slice3A_51[0] : f32 from vector<1xf32>
    %broadcast_in_dim3A_53 = vector.broadcast %squeeze3A_52 : f32 to vector<32x128xf32>
    %select_n3A_54 = arith.select %eq3A_50, %broadcast_in_dim3A_53, %select_n3A_47 : vector<32x128xi1>, vector<32x128xf32>
    %eq3A_55 = arith.constant 7 : i32
    %eq3A_56 = vector.broadcast %eq3A_55 : i32 to vector<32x128xi32>
    %eq3A_57 = arith.cmpi eq, %reshape3A_5, %eq3A_56 : vector<32x128xi32>
    %slice3A_58 = vector.extract_strided_slice %get3A_7 {offsets = [7], sizes = [1], strides = [1]} : vector<16xf32> to vector<1xf32>
    %squeeze3A_59 = vector.extract %slice3A_58[0] : f32 from vector<1xf32>
    %broadcast_in_dim3A_60 = vector.broadcast %squeeze3A_59 : f32 to vector<32x128xf32>
    %select_n3A_61 = arith.select %eq3A_57, %broadcast_in_dim3A_60, %select_n3A_54 : vector<32x128xi1>, vector<32x128xf32>
    %eq3A_62 = arith.constant 8 : i32
    %eq3A_63 = vector.broadcast %eq3A_62 : i32 to vector<32x128xi32>
    %eq3A_64 = arith.cmpi eq, %reshape3A_5, %eq3A_63 : vector<32x128xi32>
    %slice3A_65 = vector.extract_strided_slice %get3A_7 {offsets = [8], sizes = [1], strides = [1]} : vector<16xf32> to vector<1xf32>
    %squeeze3A_66 = vector.extract %slice3A_65[0] : f32 from vector<1xf32>
    %broadcast_in_dim3A_67 = vector.broadcast %squeeze3A_66 : f32 to vector<32x128xf32>
    %select_n3A_68 = arith.select %eq3A_64, %broadcast_in_dim3A_67, %select_n3A_61 : vector<32x128xi1>, vector<32x128xf32>
    %eq3A_69 = arith.constant 9 : i32
    %eq3A_70 = vector.broadcast %eq3A_69 : i32 to vector<32x128xi32>
    %eq3A_71 = arith.cmpi eq, %reshape3A_5, %eq3A_70 : vector<32x128xi32>
    %slice3A_72 = vector.extract_strided_slice %get3A_7 {offsets = [9], sizes = [1], strides = [1]} : vector<16xf32> to vector<1xf32>
    %squeeze3A_73 = vector.extract %slice3A_72[0] : f32 from vector<1xf32>
    %broadcast_in_dim3A_74 = vector.broadcast %squeeze3A_73 : f32 to vector<32x128xf32>
    %select_n3A_75 = arith.select %eq3A_71, %broadcast_in_dim3A_74, %select_n3A_68 : vector<32x128xi1>, vector<32x128xf32>
    %eq3A_76 = arith.constant 10 : i32
    %eq3A_77 = vector.broadcast %eq3A_76 : i32 to vector<32x128xi32>
    %eq3A_78 = arith.cmpi eq, %reshape3A_5, %eq3A_77 : vector<32x128xi32>
    %slice3A_79 = vector.extract_strided_slice %get3A_7 {offsets = [10], sizes = [1], strides = [1]} : vector<16xf32> to vector<1xf32>
    %squeeze3A_80 = vector.extract %slice3A_79[0] : f32 from vector<1xf32>
    %broadcast_in_dim3A_81 = vector.broadcast %squeeze3A_80 : f32 to vector<32x128xf32>
    %select_n3A_82 = arith.select %eq3A_78, %broadcast_in_dim3A_81, %select_n3A_75 : vector<32x128xi1>, vector<32x128xf32>
    %eq3A_83 = arith.constant 11 : i32
    %eq3A_84 = vector.broadcast %eq3A_83 : i32 to vector<32x128xi32>
    %eq3A_85 = arith.cmpi eq, %reshape3A_5, %eq3A_84 : vector<32x128xi32>
    %slice3A_86 = vector.extract_strided_slice %get3A_7 {offsets = [11], sizes = [1], strides = [1]} : vector<16xf32> to vector<1xf32>
    %squeeze3A_87 = vector.extract %slice3A_86[0] : f32 from vector<1xf32>
    %broadcast_in_dim3A_88 = vector.broadcast %squeeze3A_87 : f32 to vector<32x128xf32>
    %select_n3A_89 = arith.select %eq3A_85, %broadcast_in_dim3A_88, %select_n3A_82 : vector<32x128xi1>, vector<32x128xf32>
    %eq3A_90 = arith.constant 12 : i32
    %eq3A_91 = vector.broadcast %eq3A_90 : i32 to vector<32x128xi32>
    %eq3A_92 = arith.cmpi eq, %reshape3A_5, %eq3A_91 : vector<32x128xi32>
    %slice3A_93 = vector.extract_strided_slice %get3A_7 {offsets = [12], sizes = [1], strides = [1]} : vector<16xf32> to vector<1xf32>
    %squeeze3A_94 = vector.extract %slice3A_93[0] : f32 from vector<1xf32>
    %broadcast_in_dim3A_95 = vector.broadcast %squeeze3A_94 : f32 to vector<32x128xf32>
    %select_n3A_96 = arith.select %eq3A_92, %broadcast_in_dim3A_95, %select_n3A_89 : vector<32x128xi1>, vector<32x128xf32>
    %eq3A_97 = arith.constant 13 : i32
    %eq3A_98 = vector.broadcast %eq3A_97 : i32 to vector<32x128xi32>
    %eq3A_99 = arith.cmpi eq, %reshape3A_5, %eq3A_98 : vector<32x128xi32>
    %slice3A_100 = vector.extract_strided_slice %get3A_7 {offsets = [13], sizes = [1], strides = [1]} : vector<16xf32> to vector<1xf32>
    %squeeze3A_101 = vector.extract %slice3A_100[0] : f32 from vector<1xf32>
    %broadcast_in_dim3A_102 = vector.broadcast %squeeze3A_101 : f32 to vector<32x128xf32>
    %select_n3A_103 = arith.select %eq3A_99, %broadcast_in_dim3A_102, %select_n3A_96 : vector<32x128xi1>, vector<32x128xf32>
    %eq3A_104 = arith.constant 14 : i32
    %eq3A_105 = vector.broadcast %eq3A_104 : i32 to vector<32x128xi32>
    %eq3A_106 = arith.cmpi eq, %reshape3A_5, %eq3A_105 : vector<32x128xi32>
    %slice3A_107 = vector.extract_strided_slice %get3A_7 {offsets = [14], sizes = [1], strides = [1]} : vector<16xf32> to vector<1xf32>
    %squeeze3A_108 = vector.extract %slice3A_107[0] : f32 from vector<1xf32>
    %broadcast_in_dim3A_109 = vector.broadcast %squeeze3A_108 : f32 to vector<32x128xf32>
    %select_n3A_110 = arith.select %eq3A_106, %broadcast_in_dim3A_109, %select_n3A_103 : vector<32x128xi1>, vector<32x128xf32>
    %eq3A_111 = arith.constant 15 : i32
    %eq3A_112 = vector.broadcast %eq3A_111 : i32 to vector<32x128xi32>
    %eq3A_113 = arith.cmpi eq, %reshape3A_5, %eq3A_112 : vector<32x128xi32>
    %slice3A_114 = vector.extract_strided_slice %get3A_7 {offsets = [15], sizes = [1], strides = [1]} : vector<16xf32> to vector<1xf32>
    %squeeze3A_115 = vector.extract %slice3A_114[0] : f32 from vector<1xf32>
    %broadcast_in_dim3A_116 = vector.broadcast %squeeze3A_115 : f32 to vector<32x128xf32>
    %select_n3A_117 = arith.select %eq3A_113, %broadcast_in_dim3A_116, %select_n3A_110 : vector<32x128xi1>, vector<32x128xf32>
    %sub3A = arith.subf %slice3A_2, %select_n3A_117 : vector<32x128xf32>
    %transpose3A = tpu.transpose %reshape3A_1, [1, 0, 2] : vector<8x32x128xf32> -> vector<32x8x128xf32>
    %broadcast_in_dim3A_118 = vector.shape_cast %sub3A : vector<32x128xf32> to vector<32x1x128xf32>
    %add3A = vector.broadcast %broadcast_in_dim3A_118 : vector<32x1x128xf32> to vector<32x8x128xf32>
    %add3A_119 = arith.addf %transpose3A, %add3A : vector<32x8x128xf32>
    %swap3A = arith.constant 0 : index
    %swap3A_120 = arith.constant 0 : index
    %swap3A_121 = arith.constant 0 : index
    %swap3A_122 = vector.load %arg4[%swap3A, %swap3A_120, %swap3A_121] : memref<32x8x128xf32, #tpu.memory_space<vmem>>, vector<32x8x128xf32>
    tpu.vector_store %arg4[%swap3A, %swap3A_120, %swap3A_121], %add3A_119 {strides = array<i32>} : memref<32x8x128xf32, #tpu.memory_space<vmem>>, vector<32x8x128xf32>,
    return
  }
  func.func @transform_0(%arg0: i32) -> i32 {
    %c0_i32 = arith.constant 0 : i32
    return %arg0 : i32
  }
  func.func @transform_1(%arg0: i32) -> i32 {
    %c0_i32 = arith.constant 0 : i32
    return %arg0 : i32
  }
  func.func @transform_2(%arg0: i32) -> i32 {
    %c0_i32 = arith.constant 0 : i32
    %c0_i32_0 = arith.constant 0 : i32
    return %c0_i32 : i32
  }
  func.func @transform_3(%arg0: i32) -> (i32, i32, i32) {
    %c0_i32 = arith.constant 0 : i32
    %c0_i32_0 = arith.constant 0 : i32
    %c0_i32_1 = arith.constant 0 : i32
    return %arg0, %c0_i32, %c0_i32_0 : i32, i32, i32
  }
}

</mosaic_0001>

<sc_bundles>
// kernel: kernel.5.cloned.1.call-start
scs
__scs_entry_jumppad:
0x0: {  	(pc) =	sbr.rel $0x88, $3  }
0x1: {  	(tag) =	ssettag $0x0;
	lr =	simm.s32 $0x1  }
0x2: {  	[smem:$0x3F9B] =	sst lr;
	_ =	strace $0xD0000000  }
0x3: {  	_ = 	snop  }
0x4: {  	_ = 	snop  }
0x5: {  	_ = 	snop  }
0x6: {  	_ = 	snop  }
0x7: {  	_ = 	snop  }
__scs_overlays_trampoline_lowered:
0x8: {  	[smem:$0x3FAA] =	sst s0  }
0x9: {  	[smem:$0x3FAB] =	sst s1  }
0xa: {  	[smem:$0x3FAC] =	sst s2  }
0xb: {  	[smem:$0x3FAD] =	sst s3  }
0xc: {  	[smem:$0x3FAE] =	sst s4  }
0xd: {  	[smem:$0x3FAF] =	sst s5  }
0xe: {  	[smem:$0x3FB0] =	sst s6  }
0xf: {  	[smem:$0x3FB1] =	sst s7  }
0x10: {  	[smem:$0x3FB2] =	sst s8  }
0x11: {  	[smem:$0x3FB3] =	sst s9;
	s0 =	simm.s32 @!p0 $0x0  }
0x12: {  	s1 =	sld [smem:$0x3F99];
	s0 =	simm.s32 @p0 $0x1  }
0x13: {  	[smem:$0x3FB4] =	sst s0;
	s0 =	simm.s32 @!p1 $0x0  }
0x14: {  	s2 =	sld [smem:$0x3F98];
	s0 =	simm.s32 @p1 $0x1  }
0x15: {  	[smem:$0x3FB5] =	sst s0;
	s0 =	simm.s32 @!p2 $0x0  }
0x16: {  	s3 =	sld [smem:$0x3FDB];
	s0 =	simm.s32 @p2 $0x1  }
0x17: {  	s4 =	simm.s32 $0x1BF5;
	[smem:$0x3FB7] =	sst s0  }
0x18: {  	s0 =	sld [smem:$0x3F9A];
	_ =	swait.ge [sflag:s4], $0x0  }
0x19: {  	s7 =	sld [smem:$0x3F9B]  }
0x1a: {  	s8 =	sadd.s32 $0xFFFFE003, lr  }
0x1b: {  	s9 =	sadd.s32 $0xFFFFFEF7, lr;
	s5 =	simm.s32 $0xFFFFFFFF;
	p2 =	slt.u32 s8, $0xFFFFF086  }
0x1c: {  	p1 =	slt.u32 s9, $0xF7A;
	s5 =	simm.s32 @!p2 $0x0  }
0x1d: {  	s5 =	simm.s32 @p1 $0x1;
	p0 =	seq.s32 s7, s2  }
0x1e: {  	s7 =	smul.u32 @!p0 $0xF7A, s2;
	p2 =	seq.s32 @!p0 s5, $0x0  }
0x1f: {  	s9 =	smul.u32 $0xF7A, s1;
	s8 =	simm.s32 @!p0 $0x1BF5;
	p2 =	por !p2, p0  }
0x20: {  	[sflag:s8] =	ssyncset.s32 @!p0 $0xFFFFF086;
	s6 =	sadd.s32 @!p0 s3, s7;
	s7 =	simm.s32 @!p0 $0x108  }
0x21: {  	s3 =	sadd.s32 s3, s9;
	s6 =	sadd.s32 @!p0 $0x88, s6;
	s7 =	simm.s32 @p2 $0x1082  }
0x22: {  	[simem:s7], [sflag:s8] =	dma.local @!p0 [hbm:s6], $0xF7A  }
0x23: {  	s9 =	sor.u32 $0xD0000000, s2;
	s6 =	simm.s32 $0x108;
	_ =	swait.ge @!p0 [sflag:s8], $0x0  }
0x24: {  	s3 =	sadd.s32 $0x88, s3;
	s6 =	simm.s32 @!p1 $0x1082;
	[sflag:s4] =	ssyncset.s32 $0xFFFFF086  }
0x25: {  	[simem:s6], [sflag:s4] =	dma.local [hbm:s3], $0xF7A  }
0x26: {  	[smem:$0x3F9B] =	sst s1;
	(tag) =	ssettag s2;
	_ =	strace s9  }
0x27: {  	s1 =	sld [smem:$0x3FAB]  }
0x28: {  	s2 =	sld [smem:$0x3FAC]  }
0x29: {  	s4 =	sld [smem:$0x3FAE]  }
0x2a: {  	p0 =	seq.s32 s5, $0x0;
	s5 =	sld [smem:$0x3FAF]  }
0x2b: {  	s6 =	sld [smem:$0x3FB0]  }
0x2c: {  	s7 =	sld [smem:$0x3FB1]  }
0x2d: {  	s3 =	simm.s32 $0x108;
	s8 =	sld [smem:$0x3FB2]  }
0x2e: {  	s3 =	simm.s32 @!p0 $0x1082;
	s9 =	sld [smem:$0x3FB3]  }
0x2f: {  	lr =	sadd.s32 s0, s3;
	s0 =	sld [smem:$0x3FAA]  }
0x30: {  	s3 =	sld [smem:$0x3FAD]  }
0x31: {  	[smem:$0x3FB6] =	sst s10  }
0x32: {  	s10 =	sld [smem:$0x3FB4];
	_ =	sdelay $0x3  }
0x33: {  	p0 =	seq.s32 s10, $0x1;
	s10 =	sld [smem:$0x3FB6];
	_ =	sdelay $0x3  }
0x34: {  	[smem:$0x3FB6] =	sst s10  }
0x35: {  	s10 =	sld [smem:$0x3FB5];
	_ =	sdelay $0x3  }
0x36: {  	p1 =	seq.s32 s10, $0x1;
	s10 =	sld [smem:$0x3FB6];
	_ =	sdelay $0x3  }
0x37: {  	[smem:$0x3FB6] =	sst s10  }
0x38: {  	s10 =	sld [smem:$0x3FB7]  }
0x39: {  	_ = 	snop;
	(pc) =	sbr.ind lr, $3  }
0x3a: {  	_ = 	snop  }
0x3b: {  	_ = 	snop  }
0x3c: {  	p2 =	seq.s32 s10, $0x1;
	s10 =	sld [smem:$0x3FB6]  }
0x3d: {  	_ =	shalt  }
0x3e: {  	_ =	shalt  }
0x3f: {  	_ =	shalt  }
0x40: {  	_ =	shalt  }
0x41: {  	_ =	shalt  }
0x42: {  	_ =	shalt  }
0x43: {  	_ =	shalt  }
0x44: {  	_ =	shalt  }
0x45: {  	_ =	shalt  }
0x46: {  	_ =	shalt  }
0x47: {  	_ =	shalt  }
0x48: {  	_ =	shalt  }
0x49: {  	_ =	shalt  }
0x4a: {  	_ =	shalt  }
0x4b: {  	_ =	shalt  }
0x4c: {  	_ =	shalt  }
0x4d: {  	_ =	shalt  }
0x4e: {  	_ =	shalt  }
0x4f: {  	_ =	shalt  }
0x50: {  	_ =	shalt  }
0x51: {  	_ =	shalt  }
0x52: {  	_ =	shalt  }
0x53: {  	_ =	shalt  }
0x54: {  	_ =	shalt  }
0x55: {  	_ =	shalt  }
0x56: {  	_ =	shalt  }
0x57: {  	_ =	shalt  }
0x58: {  	_ =	shalt  }
0x59: {  	_ =	shalt  }
0x5a: {  	_ =	shalt  }
0x5b: {  	_ =	shalt  }
0x5c: {  	_ =	shalt  }
0x5d: {  	_ =	shalt  }
0x5e: {  	_ =	shalt  }
0x5f: {  	_ =	shalt  }
0x60: {  	_ =	shalt  }
0x61: {  	_ =	shalt  }
0x62: {  	_ =	shalt  }
0x63: {  	_ =	shalt  }
0x64: {  	_ =	shalt  }
0x65: {  	_ =	shalt  }
0x66: {  	_ =	shalt  }
0x67: {  	_ =	shalt  }
0x68: {  	_ =	shalt  }
0x69: {  	_ =	shalt  }
0x6a: {  	_ =	shalt  }
0x6b: {  	_ =	shalt  }
0x6c: {  	_ =	shalt  }
0x6d: {  	_ =	shalt  }
0x6e: {  	_ =	shalt  }
0x6f: {  	_ =	shalt  }
0x70: {  	_ =	shalt  }
0x71: {  	_ =	shalt  }
0x72: {  	_ =	shalt  }
0x73: {  	_ =	shalt  }
0x74: {  	_ =	shalt  }
0x75: {  	_ =	shalt  }
0x76: {  	_ =	shalt  }
0x77: {  	_ =	shalt  }
0x78: {  	_ =	shalt  }
0x79: {  	_ =	shalt  }
0x7a: {  	_ =	shalt  }
0x7b: {  	_ =	shalt  }
0x7c: {  	_ =	shalt  }
0x7d: {  	_ =	shalt  }
0x7e: {  	_ =	shalt  }
0x7f: {  	_ =	shalt  }
0x80: {  	_ =	shalt  }
0x81: {  	_ =	shalt  }
0x82: {  	_ =	shalt  }
0x83: {  	_ =	shalt  }
0x84: {  	_ =	shalt  }
0x85: {  	_ =	shalt  }
0x86: {  	_ =	shalt  }
0x87: {  	_ =	shalt  }
.Lfunc_end0:
.L_simem_size_0:
called_computation_lowered:
.L_overlay_start_0:
0x88: {  	s0 =	sld [smem:$0x3FD9]  }
0x89: {  	s1 =	sld [smem:$0x3FFE];
	_ =	sdelay $0x3  }
0x8a: {  	s0 =	sadd.s32 s1, s0  }
0x8b: {  	[smem:$0x3FC2] =	sst s0  }
0x8c: {  	_ = 	snop  }
0x8d: {  	s0 =	sld [smem:$0x3FC8]  }
0x8e: {  	s16 =	sld [smem:$0x3FD0];
	(tm) =	ssettm $0x1  }
0x8f: {  	s2 =	sld [smem:$0x3FFB];
	_ =	sdelay $0x3  }
0x90: {  	_ =	strace s2  }
0x91: {  	s2 =	sld [smem:$0x3FFC];
	_ =	sdelay $0x3  }
0x92: {  	_ =	strace s2  }
0x93: {  	s2 =	sld [smem:$0x3FFD];
	_ =	sdelay $0x3  }
0x94: {  	_ =	strace s2  }
0x95: {  	_ =	strace $0x8FFFFFFF  }
0x96: {  	s17 =	sld [smem:$0x3FDB];
	_ =	sdelay $0x1  }
0x97: {  	s3 =	simm.s32 $_scs_section_size  }
0x98: {  	s4 =	simm.s32 $_size__tile_overlayer_lowered;
	s5 =	simm.s32 $_tile_overlayer_lowered  }
0x99: {  	s20 =	simm.s32 $0x1BFF;
	s19 =	sshll.u32 s5, $0x1;
	s2 =	sadd.s32 s3, s17  }
0x9a: {  	s6 =	simm.s32 $0x0;
	s18 =	sshll.u32 s4, $0x1;
	s4 =	sadd.s32 s19, s2  }
0x9b: {  	[timem:s6], [sflag:s20] =	dma.local [hbm:s4], s18  }
0x9c: {  	_ =	swait.ge [sflag:s20], s18  }
0x9d: {  	s3 =	ssub.s32 $0x0, s18;
	[sflag:s20] =	ssyncset.done $0x0  }
0x9e: {  	[sflag:s20] =	ssyncadd.s32 s3;
	_ =	sdelay $0x1  }
0x9f: {  	s21 =	simm.s32 $0x1B8B  }
0xa0: {  	_ =	swait.ge [sflag:s21], $0x1  }
0xa1: {  	[sflag:s21] =	ssyncset.done $0x0  }
0xa2: {  	s23 =	simm.s32 $0x1B8E;
	s22 =	sld [smem:$0x3FFE];
	[sflag:s21] =	ssyncadd.s32 $0xFFFFFFFF  }
0xa3: {  	s24 =	simm.s32 $execute0_lowered;
	[smem:$0x3FD2] =	sst s23  }
0xa4: {  	s4 =	sshll.u32 s24, $0x1;
	_ =	strace $0x80000046;
	[dreg:$0x1] =	wrdreg $0xFFFFFFFF  }
0xa5: {  	s25 =	simm.s32 $_size_execute0_lowered;
	s2 =	sadd.s32 s2, s4;
	[dreg:$0x0] =	wrdreg $0x0  }
0xa6: {  	s4 =	sshll.u32 s25, $0x1;
	[dreg:$0x2] =	wrdreg s2  }
0xa7: {  	[dreg:$0x3] =	wrdreg s4  }
0xa8: {  	[dreg:$0x4] =	wrdreg $0xC0  }
0xa9: {  	_ =	task [dreg:s6], $0x5FFFF  }
0xaa: {  	[dreg:$0x1] =	wrdreg $0xFFFFFFFF  }
0xab: {  	[dreg:$0x0] =	wrdreg $0x60  }
0xac: {  	[dreg:$0x2] =	wrdreg s22  }
0xad: {  	[dreg:$0x3] =	wrdreg s0  }
0xae: {  	[dreg:$0x4] =	wrdreg s16  }
0xaf: {  	[dreg:$0x5] =	wrdreg $0x11000  }
0xb0: {  	[dreg:$0x6] =	wrdreg $0x9  }
0xb1: {  	_ =	task.clear_ibuf [dreg:s6], $0x7FFFF;
	_ =	strace $0x90000046  }
0xb2: {  	s26 =	simm.s32 $0x9;
	_ =	strace $0x80000048  }
0xb3: {  	_ =	swait.ge [sflag:s26], $0x1  }
0xb4: {  	[sflag:s26] =	ssyncadd.s32 $0xFFFFFFFF  }
0xb5: {  	_ =	strace $0x90000048  }
0xb6: {  	_ =	sfence  }
0xb7: {  	s28 =	sld [smem:$0x0];
	_ =	sdelay $0x1  }
0xb8: {  	s29 =	srdreg.scid  }
0xb9: {  	s30 =	sshll.u32 s29, $0xD;
	s31 =	sshrl.u32 s29, $0x2  }
0xba: {  	s1 =	sand.u32 $0x1, s29;
	s2 =	sand.u32 $0x4000, s30;
	s0 =	sadd.s32 s31, s28  }
0xbb: {  	s1 =	sor.u32 s2, s1;
	s0 =	sshll.u32 s0, $0x11  }
0xbc: {  	s0 =	sor.u32 s0, s1  }
0xbd: {  	s0 =	sadd.s32 $0x8F2B, s0  }
0xbe: {  	[sflag:s0] =	ssyncadd.remote.s32 $0x1  }
0xbf: {  	_ =	sfence.sel $0xFFFF  }
0xc0: {  	[dreg:$0x0] =	wrdreg $0xFFFFFFFF;
	(pc) =	sbr.abs _section_cstart, $3  }
0xc1: {  	[dreg:$0x1] =	wrdreg $0xFFFFFFFF  }
0xc2: {  	_ =	task.clear_ibuf [dreg:s6], $0x2FFFF;
	_ =	strace $0x9FFFFFFF  }
0xc3: {  	(tm) =	ssettm $0x7FFFFFFF  }
tec
execute0_lowered:
.L_overlay_start_1:
0x0: {  	(tag) =	ssettag $0x1  }
0x1: {  	s2 =	stileid.u32  }
0x2: {  	s0 =	sshrl.u32 s2, $0x1  }
0x3: {  	s1 =	sshll.u32 s2, $0xB;
	s0 =	smul.u32 $0x9000, s0  }
0x4: {  	s4 =	rddreg [dreg:$0x0];
	s3 =	sand.u32 $0x800, s1  }
0x5: {  	s5 =	rddreg [dreg:$0x1];
	s6 =	simm.s32 $0x0;
	s0 =	sor.u32 s3, s0  }
0x6: {  	[smem:$0x7FF] =	sst s6;
	s7 =	sadd.s32 $0x8000, s0  }
0x7: {  	s1 =	rddreg [dreg:$0x2];
	s7 =	sshrl.u32 s7, $0x3  }
0x8: {  	s25 =	simm.s32 $0x1;
	s3 =	rddreg [dreg:$0x3];
	s4 =	sadd.s32 s7, s4  }
0x9: {  	s0 =	rddreg [dreg:$0x4];
	_ =	strace $0x80000047;
	s4 =	sadd.s32 $0xE00, s4  }
0xa: {  	[tilespmem:s6], [sflag:$0x1] =	stream.linear.gather [hbm4b:s4+s6], $0x800, $0x38;
	[tilespmem:$0x13A0] =	vst v63  }
0xb: {  	_ =	swait.ge [sflag:s25], $0x800  }
0xc: {  	s26 =	sshll.u32 s2, $0x8;
	[sflag:s25] =	ssyncset.done $0x0  }
0xd: {  	s28 =	simm.s32 $0x800;
	s5 =	sadd.s32 s5, s26;
	[sflag:s25] =	ssyncadd.s32 $0xFFFFF800  }
0xe: {  	[tilespmem:s28], [sflag:$0x1] =	stream.linear.gather [hbm4b:s5+s6], $0x800, $0x38;
	[tilespmem:$0x13A0] =	vst v63  }
0xf: {  	_ =	swait.ge [sflag:s25], $0x800  }
0x10: {  	[sflag:s25] =	ssyncset.done $0x0  }
0x11: {  	[sflag:s25] =	ssyncadd.s32 $0xFFFFF800  }
0x12: {  	v0 =	vld [tilespmem:$0x800]  }
0x13: {  	v1 =	vld [tilespmem:$0xFF0];
	_ =	sdelay $0x3  }
0x14: {  	(v2sf) =	vpush v0, $0x0  }
0x15: {  	(v2sf) =	vpush v1, $0xF;
	_ =	sdelay $0xd  }
0x16: {  	s29 =	spop (v2sf)  }
0x17: {  	s31 =	spop (v2sf)  }
0x18: {  	p0 =	sne.s32 s29, s31  }
.Ltmp0:
0x19: {  	_ = 	snop;
	(pc) =	sbr.rel @p0 .LBB2_1-.Ltmp0, $4  }
0x1a: {  	_ = 	snop  }
0x1b: {  	s30 =	sshll.u32 s2, $0x5  }
0x1c: {  	s5 =	sadd.s32 s30, s3;
	v1 =	vimm.f32 $0.0e+00  }
0x1d: {  	s4 =	sadd.s32 $0x10, s5;
	[tilespmem:$0x1080] =	vst v1  }
0x1e: {  	s7 =	simm.s32 $0x40  }
0x1f: {  	v3 =	vld [tilespmem:s7+$0xFFFFFFC0]  }
0x20: {  	v4 =	vld [tilespmem:s7+$0xFFFFFFD0]  }
0x21: {  	v5 =	vld [tilespmem:s7+$0xFFFFFFE0]  }
0x22: {  	v1 =	vld [tilespmem:s7+$0xFFFFFFF0]  }
0x23: {  	v6 =	vimm.f32 $-Inf;
	v2 =	vld [tilespmem:s7+$0x0]  }
0x24: {  	v6 =	vmax.f32 v6, v3;
	v3 =	vld [tilespmem:s7+$0x10]  }
0x25: {  	v6 =	vmax.f32 v6, v4;
	v4 =	vld [tilespmem:s7+$0x20]  }
0x26: {  	s6 =	simm.s32 $0x0;
	v6 =	vmax.f32 v6, v5;
	v5 =	vld [tilespmem:s7+$0x30];
	s7 =	simm.s32 $0xC0  }
.LBB2_5:
0x27: {  	v7 =	vld [tilespmem:s7+$0xFFFFFFC0];
	s6 =	sadd.s32 $0x8, s6;
	v1 =	vmax.f32 v6, v1  }
0x28: {  	v6 =	vld [tilespmem:s7+$0xFFFFFFD0];
	p0 =	slt.u32 s6, $0x78;
	v1 =	vmax.f32 v1, v2  }
0x29: {  	v8 =	vld [tilespmem:s7+$0xFFFFFFE0];
	v2 =	vmax.f32 v1, v3  }
.Ltmp1:
0x2a: {  	v1 =	vld [tilespmem:s7+$0xFFFFFFF0];
	v3 =	vmax.f32 v2, v4;
	(pc) =	sbr.rel @p0 .LBB2_5-.Ltmp1, $4  }
0x2b: {  	v2 =	vld [tilespmem:s7+$0x0];
	v3 =	vmax.f32 v3, v5  }
0x2c: {  	v4 =	vmax.f32 v3, v7;
	v3 =	vld [tilespmem:s7+$0x10]  }
0x2d: {  	v5 =	vmax.f32 v4, v6;
	v4 =	vld [tilespmem:s7+$0x20]  }
0x2e: {  	v6 =	vmax.f32 v5, v8;
	v5 =	vld [tilespmem:s7+$0x30];
	s7 =	sadd.s32 $0x80, s7  }
0x2f: {  	v1 =	vmax.f32 v6, v1  }
0x30: {  	v1 =	vmax.f32 v1, v2  }
0x31: {  	v1 =	vmax.f32 v1, v3  }
0x32: {  	v1 =	vmax.f32 v1, v4  }
0x33: {  	v1 =	vmax.f32 v1, v5  }
0x34: {  	(xrf0) =	vmax.scan.msk.f32 $0xffff, v1;
	_ =	sdelay $0x5  }
0x35: {  	v0 =	vbroadcast v0, $0x0;
	v1, _, _ =	vpop (xrf0)  }
0x36: {  	v2 =	vlaneseq.u32;
	v1 =	vbroadcast v1, $0xF  }
0x37: {  	vm0 =	veq.s32 v0, v2  }
0x38: {  	v2 =	vnsel vm0, $0xFF800000, v1  }
0x39: {  	s6 =	simm.s32 $0x40;
	[tilespmem:$0x1000] =	vst v2  }
0x3a: {  	v2 =	vld [tilespmem:s6+$0xFFFFFFC0];
	_ =	sdelay $0x1  }
0x3b: {  	v3 =	vld [tilespmem:s6+$0xFFFFFFD0];
	_ =	sdelay $0x1  }
0x3c: {  	v4 =	vld [tilespmem:s6+$0xFFFFFFE0]  }
0x3d: {  	v2 =	vsub.f32 v2, v1  }
0x3e: {  	v5 =	vld [tilespmem:s6+$0xFFFFFFF0]  }
0x3f: {  	v3 =	vsub.f32 v3, v1;
	v2 =	vmul.f32 $1.442695020e+00, v2;
	_ =	sdelay $0x1  }
0x40: {  	v6 =	vld [tilespmem:s6+$0x0];
	v4 =	vsub.f32 v4, v1;
	v3 =	vmul.f32 $1.442695020e+00, v3;
	(erf) = vpow2.f32 v2;
	_ =	sdelay $0x1  }
0x41: {  	v5 =	vsub.f32 v5, v1;
	v4 =	vmul.f32 $1.442695020e+00, v4;
	v2 =	vld [tilespmem:s6+$0x10];
	(erf) = vpow2.f32 v3  }
0x42: {  	v7 =	vld [tilespmem:s6+$0x20]  }
0x43: {  	v5 =	vmul.f32 $1.442695020e+00, v5;
	(erf) = vpow2.f32 v4  }
0x44: {  	v3 =	vsub.f32 v6, v1  }
0x45: {  	(erf) = vpow2.f32 v5;
	v5 =	vld [tilespmem:s6+$0x30]  }
0x46: {  	s7 =	simm.s32 $0xC0;
	v3 =	vmul.f32 $1.442695020e+00, v3;
	v2 =	vsub.f32 v2, v1  }
0x47: {  	v6 =	vld [tilespmem:s7+$0xFFFFFFC0];
	v4 =	vsub.f32 v7, v1  }
0x48: {  	v8 =	vld [tilespmem:s7+$0xFFFFFFD0];
	(erf) = vpow2.f32 v3;
	v3 =	vimm.f32 $0.0e+00;
	v2 =	vmul.f32 $1.442695020e+00, v2;
	v7 =	vpop (erf)  }
0x49: {  	v3 =	vadd.f32 v7, v3  }
0x4a: {  	v4 =	vmul.f32 $1.442695020e+00, v4;
	v5 =	vsub.f32 v5, v1;
	(erf) = vpow2.f32 v2;
	v2 =	vld [tilespmem:s7+$0xFFFFFFE0];
	v7 =	vpop (erf)  }
0x4b: {  	v3 =	vadd.f32 v7, v3  }
0x4c: {  	v6 =	vsub.f32 v6, v1;
	(erf) = vpow2.f32 v4;
	v4 =	vld [tilespmem:s7+$0xFFFFFFF0];
	v5 =	vmul.f32 $1.442695020e+00, v5;
	v7 =	vpop (erf)  }
0x4d: {  	v3 =	vadd.f32 v7, v3;
	v7 =	vsub.f32 v8, v1  }
0x4e: {  	v9 =	vld [tilespmem:s7+$0x0];
	v6 =	vmul.f32 $1.442695020e+00, v6;
	v8 =	vpop (erf);
	(erf) = vpow2.f32 v5  }
0x4f: {  	v2 =	vsub.f32 v2, v1;
	v5 =	vmul.f32 $1.442695020e+00, v7  }
0x50: {  	v10 =	vld [tilespmem:s7+$0x10];
	(erf) = vpow2.f32 v6;
	v3 =	vadd.f32 v8, v3  }
0x51: {  	v7 =	vsub.f32 v4, v1;
	v4 =	vpop (erf);
	v8 =	vmul.f32 $1.442695020e+00, v2  }
0x52: {  	v2 =	vld [tilespmem:s7+$0x20];
	v11 =	vadd.f32 v4, v3;
	(erf) = vpow2.f32 v5  }
0x53: {  	v4 =	vsub.f32 v9, v1;
	v5 =	vpop (erf)  }
0x54: {  	v6 =	vmul.f32 $1.442695020e+00, v7;
	v3 =	vld [tilespmem:s7+$0x30];
	(erf) = vpow2.f32 v8;
	v7 =	vadd.f32 v5, v11  }
0x55: {  	s6 =	simm.s32 $0x8;
	s7 =	simm.s32 $0x140;
	v5 =	vsub.f32 v10, v1;
	v8 =	vpop (erf)  }
.LBB2_7:
0x56: {  	v9 =	vld [tilespmem:s7+$0xFFFFFFC0];
	v4 =	vmul.f32 $1.442695020e+00, v4;
	(erf) = vpow2.f32 v6;
	v10 =	vadd.f32 v8, v7  }
0x57: {  	s6 =	sadd.s32 $0x8, s6;
	v2 =	vsub.f32 v2, v1;
	v7 =	vpop (erf)  }
0x58: {  	p0 =	slt.u32 s6, $0x78;
	v5 =	vmul.f32 $1.442695020e+00, v5;
	v8 =	vld [tilespmem:s7+$0xFFFFFFD0];
	(erf) = vpow2.f32 v4;
	v4 =	vadd.f32 v7, v10  }
0x59: {  	v3 =	vsub.f32 v3, v1;
	v6 =	vpop (erf)  }
0x5a: {  	v2 =	vmul.f32 $1.442695020e+00, v2;
	v7 =	vld [tilespmem:s7+$0xFFFFFFE0];
	v4 =	vadd.f32 v6, v4;
	(erf) = vpow2.f32 v5  }
0x5b: {  	v5 =	vsub.f32 v9, v1;
	v6 =	vpop (erf)  }
0x5c: {  	v3 =	vmul.f32 $1.442695020e+00, v3;
	v9 =	vld [tilespmem:s7+$0xFFFFFFF0];
	v4 =	vadd.f32 v6, v4;
	(erf) = vpow2.f32 v2  }
0x5d: {  	v2 =	vsub.f32 v8, v1;
	v6 =	vpop (erf)  }
0x5e: {  	v5 =	vmul.f32 $1.442695020e+00, v5;
	v8 =	vld [tilespmem:s7+$0x0];
	v4 =	vadd.f32 v6, v4;
	(erf) = vpow2.f32 v3  }
0x5f: {  	v3 =	vsub.f32 v7, v1;
	v6 =	vpop (erf)  }
0x60: {  	v7 =	vmul.f32 $1.442695020e+00, v2;
	v10 =	vld [tilespmem:s7+$0x10];
	(erf) = vpow2.f32 v5;
	v4 =	vadd.f32 v6, v4  }
.Ltmp2:
0x61: {  	v5 =	vsub.f32 v9, v1;
	v6 =	vpop (erf);
	(pc) =	sbr.rel @p0 .LBB2_7-.Ltmp2, $4  }
0x62: {  	v9 =	vmul.f32 $1.442695020e+00, v3;
	v2 =	vld [tilespmem:s7+$0x20];
	(erf) = vpow2.f32 v7;
	v7 =	vadd.f32 v6, v4  }
0x63: {  	v4 =	vsub.f32 v8, v1;
	v8 =	vpop (erf)  }
0x64: {  	v6 =	vmul.f32 $1.442695020e+00, v5;
	v3 =	vld [tilespmem:s7+$0x30];
	(erf) = vpow2.f32 v9;
	v7 =	vadd.f32 v8, v7  }
0x65: {  	s7 =	sadd.s32 $0x80, s7;
	v5 =	vsub.f32 v10, v1;
	v8 =	vpop (erf)  }
0x66: {  	v4 =	vmul.f32 $1.442695020e+00, v4;
	(erf) = vpow2.f32 v6;
	v51 =	vadd.f32 v8, v7  }
0x67: {  	v2 =	vsub.f32 v2, v1;
	v52 =	vpop (erf)  }
0x68: {  	v5 =	vmul.f32 $1.442695020e+00, v5;
	(erf) = vpow2.f32 v4;
	v53 =	vadd.f32 v52, v51  }
0x69: {  	v54 =	vsub.f32 v3, v1;
	v55 =	vpop (erf)  }
0x6a: {  	v2 =	vmul.f32 $1.442695020e+00, v2;
	(erf) = vpow2.f32 v5;
	v3 =	vadd.f32 v55, v53  }
0x6b: {  	v56 =	vpop (erf)  }
0x6c: {  	v1 =	vmul.f32 $1.442695020e+00, v54;
	(erf) = vpow2.f32 v2;
	v3 =	vadd.f32 v56, v3  }
0x6d: {  	v57 =	vpop (erf)  }
0x6e: {  	(erf) = vpow2.f32 v1;
	v2 =	vadd.f32 v57, v3  }
0x6f: {  	v58 =	vpop (erf)  }
0x70: {  	v1 =	vadd.f32 v58, v2  }
0x71: {  	v59 =	vpop (erf)  }
0x72: {  	v1 =	vadd.f32 v59, v1  }
0x73: {  	v60 =	vpop (erf)  }
0x74: {  	v1 =	vadd.f32 v60, v1  }
0x75: {  	v61 =	vpop (erf)  }
0x76: {  	v1 =	vadd.f32 v61, v1  }
0x77: {  	v62 =	vpop (erf)  }
0x78: {  	v1 =	vadd.f32 v62, v1;
	_ =	sdelay $0x1  }
0x79: {  	(xrf2) =	vadd.scan.msk.f32 $0xffff, v1;
	_ =	sdelay $0x9  }
.Ltmp3:
0x7a: {  	v1, _, _ =	vpop (xrf2);
	(pc) =	sbr.rel .LBB2_15-.Ltmp3, $4  }
0x7b: {  	v63 =	vlaneseq.u32;
	v1 =	vbroadcast v1, $0xF  }
0x7c: {  	vm0 =	veq.s32 v0, v63  }
0x7d: {  	v0 =	vnsel vm0, $0x0, v1  }
0x7e: {  	[tilespmem:$0x1080] =	vst v0  }
.LBB2_1:
.Ltmp4:
0x7f: {  	(pc) =	sbr.rel .LBB2_2-.Ltmp4, $2  }
0x80: {  	_ =	sdelay $0x2  }
0x81: {  	v0 =	vimm.f32 $-Inf;
	v1 =	vlaneseq.u32  }
.LBB2_3:
0x82: {  	(xrf0) =	vmax.scan.msk.f32 $0xffff, v3;
	_ =	sdelay $0x5  }
0x83: {  	v3, _, _ =	vpop (xrf0)  }
0x84: {  	v2 =	vbroadcast v2, $0x0;
	v3 =	vbroadcast v3, $0xF;
	_ =	sdelay $0x1  }
0x85: {  	vm0 =	veq.s32 v2, v1;
	v2 =	vmax.f32 v0, v3  }
0x86: {  	v0 =	vsel vm0, v2, v0  }
.LBB2_12:
0x87: {  	s6 =	sadd.s32 $0x1, s6  }
0x88: {  	p0 =	sne.s32 s6, $0x80  }
.Ltmp5:
0x89: {  	_ = 	snop;
	(pc) =	sbr.rel @!p0 .LBB2_13-.Ltmp5, $1  }
0x8a: {  	_ =	sdelay $0x3  }
.LBB2_2:
0x8b: {  	s7 =	sshll.u32 s6, $0x4  }
0x8c: {  	v2 =	vld [tilespmem:s7+$0x800];
	_ =	sdelay $0x4  }
0x8d: {  	(v2sf) =	vpush v2, $0x0  }
0x8e: {  	(v2sf) =	vpush v2, $0xF;
	_ =	sdelay $0xd  }
0x8f: {  	s8 =	spop (v2sf)  }
0x90: {  	s9 =	spop (v2sf)  }
0x91: {  	p0 =	sne.s32 s8, s9  }
.Ltmp6:
0x92: {  	v3 =	vld [tilespmem:s7+$0x0];
	(pc) =	sbr.rel @!p0 .LBB2_3-.Ltmp6, $2  }
0x93: {  	_ =	sdelay $0x2  }
0x94: {  	s8 =	simm.s32 $0x0  }
0x95: {  	vm0 =	veq.s32 v2, s8  }
0x96: {  	v4 =	vnsel vm0, $0xFF800000, v3  }
0x97: {  	(xrf0) =	vmax.scan.msk.f32 $0xffff, v4;
	_ =	sdelay $0x2  }
0x98: {  	s7 =	simm.s32 $0x1  }
0x99: {  	vm0 =	veq.s32 v2, s7  }
0x9a: {  	v5 =	vnsel vm0, $0xFF800000, v3  }
0x9b: {  	v4, _, _ =	vpop (xrf0);
	(xrf0) =	vmax.scan.msk.f32 $0xffff, v5  }
0x9c: {  	v4 =	vbroadcast v4, $0xF  }
0x9d: {  	v6 =	vmov s8  }
0x9e: {  	s8 =	simm.s32 $0x2;
	vm0 =	veq.s32 v6, v1;
	v4 =	vmax.f32 v0, v4  }
.LBB2_10:
0x9f: {  	vm1 =	veq.s32 v2, s8;
	p0 =	sne.s32 s8, $0xF;
	v0 =	vsel vm0, v4, v0;
	s9 =	smov.u32 s8;
	s8 =	sadd.s32 $0x1, s8  }
.Ltmp7:
0xa0: {  	v5 =	vnsel vm1, $0xFF800000, v3;
	(pc) =	sbr.rel @p0 .LBB2_10-.Ltmp7, $4  }
0xa1: {  	(xrf0) =	vmax.scan.msk.f32 $0xffff, v5;
	v4, _, _ =	vpop (xrf0)  }
0xa2: {  	v4 =	vbroadcast v4, $0xF  }
0xa3: {  	v5 =	vmov s7;
	s7 =	smov.u32 s9  }
0xa4: {  	vm0 =	veq.s32 v5, v1;
	v4 =	vmax.f32 v0, v4  }
0xa5: {  	_ =	sdelay $0x1  }
.Ltmp8:
0xa6: {  	v2, _, _ =	vpop (xrf0);
	(pc) =	sbr.rel .LBB2_12-.Ltmp8, $4  }
0xa7: {  	v2 =	vbroadcast v2, $0xF  }
0xa8: {  	v0 =	vsel vm0, v4, v0;
	v3 =	vmov s7  }
0xa9: {  	vm15 =	veq.s32 v3, v1;
	v2 =	vmax.f32 v0, v2  }
0xaa: {  	v0 =	vsel vm15, v2, v0  }
.LBB2_13:
0xab: {  	s6 =	simm.s32 $0xFFFFFFF8;
	s7 =	simm.s32 $0x40  }
0xac: {  	[tilespmem:$0x1000] =	vst v0;
	s8 =	simm.s32 $0x840;
	s9 =	simm.s32 $0x1000;
	s10 =	simm.s32 $0x1080  }
.LBB2_14:
0xad: {  	v0 =	vld [tilespmem:s8+$0xFFFFFFC0];
	_ =	sdelay $0x6  }
0xae: {  	v1 =	vld [tilespmem:s7+$0xFFFFFFC0]  }
0xaf: {  	v2 =	vld.idx.msk [tilespmem:v0+s9+$0x0], $0xffff;
	_ =	sdelay $0x4  }
0xb0: {  	v1 =	vsub.f32 v1, v2;
	_ =	sdelay $0x1  }
0xb1: {  	v1 =	vmul.f32 $1.442695020e+00, v1;
	_ =	sdelay $0x1  }
0xb2: {  	(erf) = vpow2.f32 v1;
	_ =	sdelay $0x8  }
0xb3: {  	v1 =	vpop (erf)  }
0xb4: {  	[tilespmem:v0+s10+$0x0] =	vst.idx.add.f32.msk $0xffff, v1  }
0xb5: {  	v0 =	vld [tilespmem:s8+$0xFFFFFFD0];
	_ =	sdelay $0x6  }
0xb6: {  	v1 =	vld [tilespmem:s7+$0xFFFFFFD0]  }
0xb7: {  	v57 =	vld.idx.msk [tilespmem:v0+s9+$0x0], $0xffff;
	_ =	sdelay $0x4  }
0xb8: {  	v1 =	vsub.f32 v1, v57;
	_ =	sdelay $0x1  }
0xb9: {  	v1 =	vmul.f32 $1.442695020e+00, v1;
	_ =	sdelay $0x1  }
0xba: {  	(erf) = vpow2.f32 v1;
	_ =	sdelay $0x8  }
0xbb: {  	v1 =	vpop (erf)  }
0xbc: {  	[tilespmem:v0+s10+$0x0] =	vst.idx.add.f32.msk $0xffff, v1  }
0xbd: {  	v0 =	vld [tilespmem:s8+$0xFFFFFFE0];
	_ =	sdelay $0x6  }
0xbe: {  	v1 =	vld [tilespmem:s7+$0xFFFFFFE0]  }
0xbf: {  	v58 =	vld.idx.msk [tilespmem:v0+s9+$0x0], $0xffff;
	_ =	sdelay $0x4  }
0xc0: {  	v1 =	vsub.f32 v1, v58;
	_ =	sdelay $0x1  }
0xc1: {  	v1 =	vmul.f32 $1.442695020e+00, v1;
	_ =	sdelay $0x1  }
0xc2: {  	(erf) = vpow2.f32 v1;
	_ =	sdelay $0x8  }
0xc3: {  	v1 =	vpop (erf)  }
0xc4: {  	[tilespmem:v0+s10+$0x0] =	vst.idx.add.f32.msk $0xffff, v1  }
0xc5: {  	v0 =	vld [tilespmem:s8+$0xFFFFFFF0];
	_ =	sdelay $0x6  }
0xc6: {  	v1 =	vld [tilespmem:s7+$0xFFFFFFF0]  }
0xc7: {  	v59 =	vld.idx.msk [tilespmem:v0+s9+$0x0], $0xffff;
	_ =	sdelay $0x4  }
0xc8: {  	v1 =	vsub.f32 v1, v59;
	_ =	sdelay $0x1  }
0xc9: {  	v1 =	vmul.f32 $1.442695020e+00, v1;
	_ =	sdelay $0x1  }
0xca: {  	(erf) = vpow2.f32 v1;
	_ =	sdelay $0x8  }
0xcb: {  	v1 =	vpop (erf)  }
0xcc: {  	[tilespmem:v0+s10+$0x0] =	vst.idx.add.f32.msk $0xffff, v1  }
0xcd: {  	v0 =	vld [tilespmem:s8+$0x0];
	_ =	sdelay $0x6  }
0xce: {  	v1 =	vld [tilespmem:s7+$0x0]  }
0xcf: {  	v60 =	vld.idx.msk [tilespmem:v0+s9+$0x0], $0xffff;
	_ =	sdelay $0x4  }
0xd0: {  	v1 =	vsub.f32 v1, v60;
	_ =	sdelay $0x1  }
0xd1: {  	v1 =	vmul.f32 $1.442695020e+00, v1;
	_ =	sdelay $0x1  }
0xd2: {  	(erf) = vpow2.f32 v1;
	_ =	sdelay $0x8  }
0xd3: {  	v1 =	vpop (erf)  }
0xd4: {  	[tilespmem:v0+s10+$0x0] =	vst.idx.add.f32.msk $0xffff, v1  }
0xd5: {  	v0 =	vld [tilespmem:s8+$0x10];
	_ =	sdelay $0x6  }
0xd6: {  	v1 =	vld [tilespmem:s7+$0x10]  }
0xd7: {  	v61 =	vld.idx.msk [tilespmem:v0+s9+$0x0], $0xffff;
	_ =	sdelay $0x4  }
0xd8: {  	v1 =	vsub.f32 v1, v61;
	_ =	sdelay $0x1  }
0xd9: {  	v1 =	vmul.f32 $1.442695020e+00, v1;
	_ =	sdelay $0x1  }
0xda: {  	(erf) = vpow2.f32 v1;
	_ =	sdelay $0x8  }
0xdb: {  	v1 =	vpop (erf)  }
0xdc: {  	[tilespmem:v0+s10+$0x0] =	vst.idx.add.f32.msk $0xffff, v1  }
0xdd: {  	v0 =	vld [tilespmem:s8+$0x20];
	_ =	sdelay $0x6  }
0xde: {  	v1 =	vld [tilespmem:s7+$0x20]  }
0xdf: {  	v62 =	vld.idx.msk [tilespmem:v0+s9+$0x0], $0xffff;
	_ =	sdelay $0x4  }
0xe0: {  	v1 =	vsub.f32 v1, v62;
	_ =	sdelay $0x1  }
0xe1: {  	v1 =	vmul.f32 $1.442695020e+00, v1;
	_ =	sdelay $0x1  }
0xe2: {  	(erf) = vpow2.f32 v1;
	_ =	sdelay $0x8  }
0xe3: {  	v1 =	vpop (erf)  }
0xe4: {  	[tilespmem:v0+s10+$0x0] =	vst.idx.add.f32.msk $0xffff, v1  }
0xe5: {  	v0 =	vld [tilespmem:s8+$0x30];
	_ =	sdelay $0x6  }
0xe6: {  	v1 =	vld [tilespmem:s7+$0x30]  }
0xe7: {  	v63 =	vld.idx.msk [tilespmem:v0+s9+$0x0], $0xffff;
	_ =	sdelay $0x4  }
0xe8: {  	v1 =	vsub.f32 v1, v63;
	_ =	sdelay $0x1  }
0xe9: {  	v1 =	vmul.f32 $1.442695020e+00, v1;
	_ =	sdelay $0x1  }
0xea: {  	(erf) = vpow2.f32 v1;
	_ =	sdelay $0x3  }
0xeb: {  	s6 =	sadd.s32 $0x8, s6  }
0xec: {  	p0 =	slt.u32 s6, $0x78  }
.Ltmp9:
0xed: {  	_ = 	snop;
	(pc) =	sbr.rel @p0 .LBB2_14-.Ltmp9, $3  }
0xee: {  	_ =	sdelay $0x1  }
0xef: {  	v1 =	vpop (erf)  }
0xf0: {  	s7 =	sadd.s32 $0x80, s7;
	s8 =	sadd.s32 $0x80, s8;
	[tilespmem:v0+s10+$0x0] =	vst.idx.add.f32.msk $0xffff, v1  }
.LBB2_15:
0xf1: {  	s6 =	simm.s32 $0x1000  }
0xf2: {  	[spmem:s5] =	stream.linear.scatter [tilespmem:s6], [sflag:$0x1], $0x10, $0x38;
	[tilespmem:$0x13A0] =	vst v63  }
0xf3: {  	s5 =	simm.s32 $0x1  }
0xf4: {  	_ =	swait.ge [sflag:s5], $0x10  }
0xf5: {  	[sflag:s5] =	ssyncset.done $0x0  }
0xf6: {  	s31 =	simm.s32 $0x1080;
	[sflag:s5] =	ssyncadd.s32 $0xFFFFFFF0  }
0xf7: {  	[spmem:s4] =	stream.linear.scatter [tilespmem:s31], [sflag:$0x1], $0x10, $0x38;
	[tilespmem:$0x13A0] =	vst v63  }
0xf8: {  	_ =	swait.ge [sflag:s5], $0x10  }
0xf9: {  	[sflag:s5] =	ssyncset.done $0x0  }
0xfa: {  	[sflag:s5] =	ssyncadd.s32 $0xFFFFFFF0  }
0xfb: {  	p0 =	sne.s32 s2, $0x0;
	[bflag:$0x0] =	sbarrier.arrive $0xFFFF  }
0xfc: {  	_ =	sfence.sel @p0 $0x180000  }
0xfd: {  	[bflag:$0x0] =	sbarrier.arrive @p0 $0xFFFF  }
0xfe: {  	_ =	strace @p0 $0x90000047  }
0xff: {  	[bflag:$0x2] =	sbarrier.arrive @p0 $0xFFFF  }
0x100: {  	_ =	shalt @p0  }
.LBB2_16:
0x101: {  	s2 =	simm.s32 $0x1120  }
0x102: {  	[tilespmem:s2], [sflag:$0x1] =	stream.linear.gather [spmem:s3], $0x200, $0x38;
	[tilespmem:$0x13A0] =	vst v63  }
0x103: {  	_ =	swait.ge [sflag:s5], $0x200  }
0x104: {  	[sflag:s5] =	ssyncset.done $0x0  }
0x105: {  	[sflag:s5] =	ssyncadd.s32 $0xFFFFFE00  }
0x106: {  	v1 =	vld [tilespmem:$0x1120]  }
0x107: {  	v2 =	vld [tilespmem:$0x1140]  }
0x108: {  	v3 =	vld [tilespmem:$0x1160]  }
0x109: {  	v4 =	vld [tilespmem:$0x1180]  }
0x10a: {  	v5 =	vld [tilespmem:$0x11A0]  }
0x10b: {  	v6 =	vld [tilespmem:$0x11C0]  }
0x10c: {  	v7 =	vld [tilespmem:$0x11E0];
	v0 =	vmax.f32 v1, v2  }
0x10d: {  	v8 =	vld [tilespmem:$0x1200];
	v0 =	vmax.f32 v0, v3  }
0x10e: {  	v9 =	vld [tilespmem:$0x1220];
	v0 =	vmax.f32 v0, v4  }
0x10f: {  	v10 =	vld [tilespmem:$0x1240];
	v0 =	vmax.f32 v0, v5  }
0x110: {  	v11 =	vld [tilespmem:$0x1260];
	v0 =	vmax.f32 v0, v6  }
0x111: {  	v12 =	vld [tilespmem:$0x1280];
	v0 =	vmax.f32 v0, v7  }
0x112: {  	v13 =	vld [tilespmem:$0x12A0];
	v0 =	vmax.f32 v0, v8  }
0x113: {  	v14 =	vld [tilespmem:$0x12C0];
	v0 =	vmax.f32 v0, v9  }
0x114: {  	v15 =	vld [tilespmem:$0x12E0];
	v0 =	vmax.f32 v0, v10  }
0x115: {  	v16 =	vld [tilespmem:$0x1300];
	v0 =	vmax.f32 v0, v11  }
0x116: {  	v0 =	vmax.f32 v0, v12  }
0x117: {  	v0 =	vmax.f32 v0, v13  }
0x118: {  	v0 =	vmax.f32 v0, v14  }
0x119: {  	v0 =	vmax.f32 v0, v15  }
0x11a: {  	v0 =	vmax.f32 v0, v16  }
0x11b: {  	v1 =	vsub.f32 v1, v0;
	_ =	sdelay $0x1  }
0x11c: {  	v2 =	vsub.f32 v2, v0;
	v1 =	vmul.f32 $1.442695020e+00, v1;
	_ =	sdelay $0x1  }
0x11d: {  	v42 =	vsub.f32 v3, v0;
	v41 =	vmul.f32 $1.442695020e+00, v2;
	(erf) = vpow2.f32 v1;
	_ =	sdelay $0x1  }
0x11e: {  	v44 =	vsub.f32 v4, v0;
	v43 =	vmul.f32 $1.442695020e+00, v42;
	(erf) = vpow2.f32 v41;
	_ =	sdelay $0x1  }
0x11f: {  	v45 =	vmul.f32 $1.442695020e+00, v44;
	(erf) = vpow2.f32 v43  }
0x120: {  	v47 =	vsub.f32 v5, v0  }
0x121: {  	v46 =	vld [tilespmem:$0x1130];
	(erf) = vpow2.f32 v45  }
0x122: {  	v49 =	vsub.f32 v6, v0;
	v3 =	vmul.f32 $1.442695020e+00, v47  }
0x123: {  	v48 =	vld [tilespmem:$0x1150];
	v53 =	vsub.f32 v7, v0  }
0x124: {  	v52 =	vmul.f32 $1.442695020e+00, v49;
	v50 =	vpop (erf);
	(erf) = vpow2.f32 v3  }
0x125: {  	v51 =	vld [tilespmem:$0x1170];
	v57 =	vsub.f32 v8, v0;
	v56 =	vmul.f32 $1.442695020e+00, v53  }
0x126: {  	v2 =	vmul.f32 v50, v46;
	v54 =	vpop (erf);
	(erf) = vpow2.f32 v52  }
0x127: {  	v55 =	vld [tilespmem:$0x1190];
	v60 =	vsub.f32 v9, v0;
	v59 =	vmul.f32 $1.442695020e+00, v57  }
0x128: {  	v1 =	vmul.f32 v54, v48;
	v58 =	vpop (erf);
	(erf) = vpow2.f32 v56;
	v2 =	vadd.f32 $0.0e+00, v2  }
0x129: {  	v62 =	vld [tilespmem:$0x11B0];
	v10 =	vsub.f32 v10, v0;
	v9 =	vmul.f32 $1.442695020e+00, v60  }
0x12a: {  	v61 =	vmul.f32 v58, v51;
	v63 =	vpop (erf);
	(erf) = vpow2.f32 v59;
	v1 =	vadd.f32 v1, v2  }
0x12b: {  	v17 =	vld [tilespmem:$0x11D0];
	v21 =	vsub.f32 v11, v0;
	v18 =	vmul.f32 $1.442695020e+00, v10  }
0x12c: {  	v6 =	vmul.f32 v63, v55;
	(erf) = vpow2.f32 v9;
	v1 =	vadd.f32 v61, v1  }
0x12d: {  	v20 =	vld [tilespmem:$0x11F0];
	v25 =	vsub.f32 v12, v0;
	v19 =	vpop (erf);
	(erf) = vpow2.f32 v18  }
0x12e: {  	v24 =	vmul.f32 $1.442695020e+00, v21;
	v1 =	vadd.f32 v6, v1;
	v3 =	vmul.f32 v19, v62  }
0x12f: {  	v23 =	vld [tilespmem:$0x1210];
	v29 =	vsub.f32 v13, v0;
	v28 =	vmul.f32 $1.442695020e+00, v25;
	v22 =	vpop (erf)  }
0x130: {  	(erf) = vpow2.f32 v24;
	v2 =	vmul.f32 v22, v17;
	v1 =	vadd.f32 v3, v1  }
0x131: {  	v27 =	vld [tilespmem:$0x1230];
	v34 =	vsub.f32 v14, v0;
	v33 =	vmul.f32 $1.442695020e+00, v29;
	v26 =	vpop (erf)  }
0x132: {  	(erf) = vpow2.f32 v28;
	v30 =	vmul.f32 v26, v20;
	v1 =	vadd.f32 v2, v1  }
0x133: {  	v32 =	vld [tilespmem:$0x1250];
	v38 =	vsub.f32 v15, v0;
	v37 =	vmul.f32 $1.442695020e+00, v34;
	v31 =	vpop (erf)  }
0x134: {  	(erf) = vpow2.f32 v33;
	v35 =	vmul.f32 v31, v23;
	v1 =	vadd.f32 v30, v1  }
0x135: {  	v40 =	vld [tilespmem:$0x1270];
	v42 =	vmul.f32 $1.442695020e+00, v38;
	v43 =	vsub.f32 v16, v0;
	v36 =	vpop (erf)  }
0x136: {  	v39 =	vmul.f32 v36, v27;
	v1 =	vadd.f32 v35, v1;
	v41 =	vpop (erf);
	(erf) = vpow2.f32 v37  }
0x137: {  	v44 =	vld [tilespmem:$0x1290];
	v45 =	vmul.f32 $1.442695020e+00, v43  }
0x138: {  	v4 =	vmul.f32 v41, v32;
	(erf) = vpow2.f32 v42;
	v1 =	vadd.f32 v39, v1  }
0x139: {  	v47 =	vld [tilespmem:$0x12B0];
	v46 =	vpop (erf)  }
0x13a: {  	v3 =	vmul.f32 v46, v40;
	(erf) = vpow2.f32 v45;
	v1 =	vadd.f32 v4, v1  }
0x13b: {  	v49 =	vld [tilespmem:$0x12D0];
	v48 =	vpop (erf)  }
0x13c: {  	v2 =	vmul.f32 v48, v44;
	v1 =	vadd.f32 v3, v1  }
0x13d: {  	v51 =	vld [tilespmem:$0x12F0];
	v50 =	vpop (erf)  }
0x13e: {  	v52 =	vmul.f32 v50, v47;
	v1 =	vadd.f32 v2, v1  }
0x13f: {  	v54 =	vld [tilespmem:$0x1310];
	v53 =	vpop (erf)  }
0x140: {  	v1 =	vadd.f32 v52, v1;
	v55 =	vmul.f32 v53, v49  }
0x141: {  	v56 =	vpop (erf)  }
0x142: {  	v57 =	vmul.f32 v56, v51;
	v1 =	vadd.f32 v55, v1  }
0x143: {  	v58 =	vpop (erf)  }
0x144: {  	v59 =	vmul.f32 v58, v54;
	v1 =	vadd.f32 v57, v1;
	_ =	sdelay $0x1  }
0x145: {  	v1 =	vadd.f32 v59, v1;
	_ =	sdelay $0x1  }
0x146: {  	v2 =	vshra.s32 v1, $0x17  }
0x147: {  	v2 =	vadd.s32 $0xFFFFFF81, v2  }
0x148: {  	v2 =	vcvt.s32.f32 v2;
	_ =	sdelay $0x1  }
0x149: {  	v2 =	vmul.f32 $6.931471820e-01, v2;
	_ =	sdelay $0x1  }
0x14a: {  	v60 =	vsub.f32 $0.0e+00, v2;
	_ =	sdelay $0x1  }
0x14b: {  	v3 =	vmul.f32 $1.442695020e+00, v60;
	_ =	sdelay $0x1  }
0x14c: {  	(erf) = vpow2.f32 v3;
	_ =	sdelay $0x8  }
0x14d: {  	v3 =	vpop (erf)  }
0x14e: {  	v3 =	vmul.f32 v3, v1;
	_ =	sdelay $0x1  }
0x14f: {  	v2 =	vadd.f32 v3, v2;
	_ =	sdelay $0x1  }
0x150: {  	v2 =	vadd.f32 $-1.000000000e+00, v2;
	_ =	sdelay $0x1  }
0x151: {  	v61 =	vsub.f32 $0.0e+00, v2;
	_ =	sdelay $0x1  }
0x152: {  	v3 =	vmul.f32 $1.442695020e+00, v61;
	_ =	sdelay $0x1  }
0x153: {  	(erf) = vpow2.f32 v3;
	_ =	sdelay $0x8  }
0x154: {  	v3 =	vpop (erf)  }
0x155: {  	v3 =	vmul.f32 v3, v1;
	_ =	sdelay $0x1  }
0x156: {  	v2 =	vadd.f32 v3, v2;
	_ =	sdelay $0x1  }
0x157: {  	v2 =	vadd.f32 $-1.000000000e+00, v2;
	_ =	sdelay $0x1  }
0x158: {  	v62 =	vsub.f32 $0.0e+00, v2;
	_ =	sdelay $0x1  }
0x159: {  	v3 =	vmul.f32 $1.442695020e+00, v62;
	_ =	sdelay $0x1  }
0x15a: {  	(erf) = vpow2.f32 v3;
	_ =	sdelay $0x8  }
0x15b: {  	v3 =	vpop (erf)  }
0x15c: {  	v3 =	vmul.f32 v3, v1;
	_ =	sdelay $0x1  }
0x15d: {  	v2 =	vadd.f32 v3, v2;
	_ =	sdelay $0x1  }
0x15e: {  	v2 =	vadd.f32 $-1.000000000e+00, v2;
	_ =	sdelay $0x1  }
0x15f: {  	v63 =	vsub.f32 $0.0e+00, v2;
	_ =	sdelay $0x1  }
0x160: {  	v3 =	vmul.f32 $1.442695020e+00, v63;
	_ =	sdelay $0x1  }
0x161: {  	(erf) = vpow2.f32 v3;
	_ =	sdelay $0x8  }
0x162: {  	v3 =	vpop (erf)  }
0x163: {  	v1 =	vmul.f32 v3, v1;
	_ =	sdelay $0x1  }
0x164: {  	v1 =	vadd.f32 v1, v2;
	_ =	sdelay $0x1  }
0x165: {  	v1 =	vadd.f32 $-1.000000000e+00, v1;
	_ =	sdelay $0x1  }
0x166: {  	v0 =	vadd.f32 v1, v0;
	_ =	sdelay $0x1  }
0x167: {  	s30 =	simm.s32 $0x0;
	s31 =	simm.s32 $0x1320;
	[tilespmem:$0x1320] =	vst v0  }
0x168: {  	[hbm4b:s1+s30] =	stream.linear.scatter [tilespmem:s31], [sflag:$0x1], $0x80, $0x38;
	[tilespmem:$0x13A0] =	vst v63  }
0x169: {  	_ =	swait.ge [sflag:s5], $0x80  }
0x16a: {  	[sflag:s5] =	ssyncset.done $0x0  }
0x16b: {  	[sflag:s5] =	ssyncadd.s32 $0xFFFFFF80  }
0x16c: {  	_ =	sfence.sel $0x180000  }
0x16d: {  	[bflag:$0x0] =	sbarrier.arrive $0xFFFF  }
0x16e: {  	_ =	strace $0x90000047  }
0x16f: {  	s0 =	sadd.s32 $0x100000, s0;
	[bflag:$0x2] =	sbarrier.arrive $0xFFFF  }
0x170: {  	[sflag:s0] =	ssyncadd.tile.s32 $0x1;
	_ =	shalt  }
.Lfunc_end2:
_tile_overlayer_lowered:
.L_overlay_start_2:
0x171: {  	(tag) =	ssettag $0x2  }
0x172: {  	s0 =	rddreg [dreg:$0x0];
	s2 =	stileid.u32  }
0x173: {  	s1 =	rddreg [dreg:$0x1];
	p0 =	sne.s32 s2, $0x0  }
0x174: {  	s3 =	rddreg [dreg:$0x2];
	[bflag:$0x3] =	sbarrier.arrive $0xFFFF;
	s2 =	simm.s32 @!p0 $0x1C01  }
0x175: {  	[timem:s3], [sflag:s2] =	dma.local @!p0 [hbm:s0], s1  }
0x176: {  	s0 =	simm.s32 @!p0 $0x1  }
0x177: {  	_ =	swait.ge @!p0 [sflag:s0], s1  }
0x178: {  	s1 =	ssub.s32 @!p0 $0x0, s1;
	[sflag:s0] =	ssyncset.done @!p0 $0x0  }
0x179: {  	[sflag:s0] =	ssyncadd.s32 @!p0 s1  }
0x17a: {  	[bflag:$0x3] =	sbarrier.arrive $0xFFFF  }
0x17b: {  	_ =	shalt  }

</sc_bundles>
